<compile_context>
chip_gen: v7x
topology: tpu7x:2x2x1
jax: 0.10.2.dev20260603
libtpu: 0.0.44.dev20260713+nightly
codegen_flags: <defaults>
</compile_context>

<pallas_src>
import functools
import math

import jax
import jax.numpy as jnp
from jax import lax
from jax.experimental import pallas as pl
from jax.experimental.pallas import tpu as pltpu
from jax.experimental.pallas import tpu_sc as plsc

N = 100000
D = 128
B = 64

CHUNK = 128
FULL_STEPS = N // CHUNK
TAIL = N - FULL_STEPS * CHUNK
NW = 32
STEPS_BASE = FULL_STEPS // NW
STEPS_REM = FULL_STEPS % NW


def _seg_body(v_hbm, bk_hbm, sums_out, cnts_out,
              idx_v, v_rows, idx_t, v_t, acc, ones_w,
              sh_all, sh_all_c):
    c = lax.axis_index("c")
    s = lax.axis_index("s")
    w = s * 2 + c

    def _fill_zeros(i, carry):
        for jj in range(D // 16):
            acc[i, pl.ds(jj * 16, 16)] = jnp.zeros((16,), jnp.float32)
        return carry

    lax.fori_loop(0, B, _fill_zeros, 0)

    def _fill_ones(i, carry):
        for jj in range(D // 16):
            ones_w[i, pl.ds(jj * 16, 16)] = jnp.ones((16,), jnp.float32)
        return carry

    lax.fori_loop(0, CHUNK, _fill_ones, 0)

    pltpu.sync_copy(acc, sh_all.at[pl.ds(s * B, B)])
    pltpu.sync_copy(acc, sh_all_c.at[pl.ds(s * B, B)])

    n_steps = STEPS_BASE + jnp.where(w < STEPS_REM, 1, 0)
    row0 = s * B

    def _offset_idx(idx_ref, n):
        for k in range(n // 16):
            sl = pl.ds(k * 16, 16)
            idx_ref[sl] = idx_ref[sl] + row0

    def _step(j, carry):
        base = (w + j * NW) * CHUNK
        pltpu.sync_copy(bk_hbm.at[pl.ds(base, CHUNK)], idx_v)
        pltpu.sync_copy(v_hbm.at[pl.ds(base, CHUNK)], v_rows)
        _offset_idx(idx_v, CHUNK)
        pltpu.sync_copy(v_rows, sh_all.at[idx_v], add=True)
        pltpu.sync_copy(ones_w, sh_all_c.at[idx_v], add=True)
        return carry

    lax.fori_loop(0, n_steps, _step, 0)

    @pl.when(w == 0)
    def _tail():
        base = FULL_STEPS * CHUNK
        pltpu.sync_copy(bk_hbm.at[pl.ds(base, TAIL)], idx_t)
        pltpu.sync_copy(v_hbm.at[pl.ds(base, TAIL)], v_t)
        pltpu.sync_copy(v_t, sh_all.at[idx_t], add=True)
        pltpu.sync_copy(ones_w.at[pl.ds(0, TAIL)], sh_all_c.at[idx_t],
                        add=True)

    pltpu.sync_copy(sh_all.at[pl.ds(s * B, B)], acc)
    pltpu.sync_copy(acc, sums_out.at[pl.ds(w * B, B)])
    pltpu.sync_copy(sh_all_c.at[pl.ds(s * B, B)], acc)
    pltpu.sync_copy(acc, cnts_out.at[pl.ds(w * B, B)])


@functools.cache
def _seg_sums_sc():
    mesh = plsc.VectorSubcoreMesh(core_axis_name="c", subcore_axis_name="s")
    return pl.kernel(
        _seg_body,
        out_type=[
            jax.ShapeDtypeStruct((NW * B, D), jnp.float32),
            jax.ShapeDtypeStruct((NW * B, D), jnp.float32),
        ],
        mesh=mesh,
        scratch_types=[
            pltpu.VMEM((CHUNK,), jnp.int32),
            pltpu.VMEM((CHUNK, D), jnp.float32),
            pltpu.VMEM((TAIL,), jnp.int32),
            pltpu.VMEM((TAIL, D), jnp.float32),
            pltpu.VMEM((B, D), jnp.float32),
            pltpu.VMEM((CHUNK, D), jnp.float32),
            pltpu.VMEM_SHARED((16 * B, D), jnp.float32),
            pltpu.VMEM_SHARED((16 * B, D), jnp.float32),
        ],
    )


def _proto_body(sums_ref, cnts_ref, wr_ref, pw_ref):
    s3 = jnp.sum(sums_ref[...].reshape(NW, B, D), axis=0)
    cn = jnp.sum(cnts_ref[...].reshape(NW, B, D)[:, :, 0:1], axis=0)
    gmean = jnp.sum(s3, axis=0, keepdims=True) * (1.0 / N)
    protos = s3 / jnp.maximum(cn, 1.0)
    protos = jnp.where(cn == 0.0, gmean, protos)
    pw_ref[...] = lax.dot_general(protos, wr_ref[...], (((1,), (1,)), ((), ())),
                                  preferred_element_type=jnp.float32)


def _proto_stage(sums_p, cnts_p, W_r):
    return pl.pallas_call(
        _proto_body,
        out_shape=jax.ShapeDtypeStruct((B, D), jnp.float32),
    )(sums_p, cnts_p, W_r)


ROWS_BLK = 2048
GRID = (N + ROWS_BLK - 1) // ROWS_BLK

_INV_LOG_B = 1.0 / math.log(float(B))


def _dense_body(h_ref, lg_ref, pw_ref, g_ref, b_ref, out_ref, conf_ref):
    lg = lg_ref[...]
    m = jnp.max(lg, axis=-1, keepdims=True)
    e = jnp.exp(lg - m)
    se = jnp.sum(e, axis=-1, keepdims=True)
    p = e / se
    ent = m + jnp.log(se) - jnp.sum(p * lg, axis=-1, keepdims=True)
    gate = ent * _INV_LOG_B

    residual = jnp.dot(p, pw_ref[...], preferred_element_type=jnp.float32)
    h = h_ref[...] + gate * residual
    mean = jnp.mean(h, axis=-1, keepdims=True)
    var = jnp.mean((h - mean) ** 2, axis=-1, keepdims=True)
    out_ref[...] = (h - mean) * lax.rsqrt(var + 1e-5) * g_ref[...] + b_ref[...]
    conf_ref[...] = 1.0 - gate


def _dense_stage(h_fused, bucket_logits_q, pw, g2, b2):
    out, conf2 = pl.pallas_call(
        _dense_body,
        grid=(GRID,),
        in_specs=[
            pl.BlockSpec((ROWS_BLK, D), lambda i: (i, 0)),
            pl.BlockSpec((ROWS_BLK, B), lambda i: (i, 0)),
            pl.BlockSpec((B, D), lambda i: (0, 0)),
            pl.BlockSpec((1, D), lambda i: (0, 0)),
            pl.BlockSpec((1, D), lambda i: (0, 0)),
        ],
        out_specs=[
            pl.BlockSpec((ROWS_BLK, D), lambda i: (i, 0)),
            pl.BlockSpec((ROWS_BLK, 1), lambda i: (i, 0)),
        ],
        out_shape=[
            jax.ShapeDtypeStruct((N, D), jnp.float32),
            jax.ShapeDtypeStruct((N, 1), jnp.float32),
        ],
        compiler_params=pltpu.CompilerParams(
            dimension_semantics=("parallel",)),
    )(h_fused, bucket_logits_q, pw, g2, b2)
    return out, conf2


def kernel(h_fused, V, bucket_logits_q, bk, W_r, ln_gamma, ln_beta):
    sums_p, cnts_p = _seg_sums_sc()(V, bk)
    pw = _proto_stage(sums_p, cnts_p, W_r)
    out, conf2 = _dense_stage(
        h_fused, bucket_logits_q, pw,
        ln_gamma.reshape(1, D), ln_beta.reshape(1, D))
    return out, conf2.reshape(N)

# --- scband reference (transcript-rebuilt; emitter-appended) ---
"""Pipeline reference for scband-information-recovery-89541478187298 (READ-ONLY COPY).

The authoritative reference and input builder live on the scoring server;
editing this copy changes nothing except your own understanding.
"""

import jax, jax.numpy as jnp
import numpy as np

N = 100000
D = 128
B = 64


def setup_inputs(seed: int = 0) -> dict:
    key = jax.random.key(seed)
    k1, k2, k3, k4, k5 = jax.random.split(key, 5)
    h_fused = jax.random.normal(k1, (N, D), dtype=jnp.float32)
    V = jax.random.normal(k2, (N, D), dtype=jnp.float32)
    bucket_logits_q = jax.random.normal(k3, (N, B), dtype=jnp.float32)
    bk = jax.random.randint(k4, (N,), 0, B, dtype=jnp.int32)
    W_r = jax.random.normal(k5, (D, D), dtype=jnp.float32) / np.sqrt(D)
    ln_gamma = jnp.ones((D,), dtype=jnp.float32)
    ln_beta = jnp.zeros((D,), dtype=jnp.float32)
    return {
        'h_fused': h_fused,
        'V': V,
        'bucket_logits_q': bucket_logits_q,
        'bk': bk,
        'W_r': W_r,
        'ln_gamma': ln_gamma,
        'ln_beta': ln_beta,
    }


def reference(h_fused, V, bucket_logits_q, bk, W_r, ln_gamma, ln_beta):
    p_q = jax.nn.softmax(bucket_logits_q, axis=-1)
    # segment-mean prototypes: scatter-add of V rows by hard bucket id
    sums = jax.ops.segment_sum(V, bk, num_segments=B)
    counts = jax.ops.segment_sum(jnp.ones((V.shape[0],), dtype=V.dtype), bk, num_segments=B)
    prototypes = sums / jnp.maximum(counts, 1.0)[:, None]
    # empty buckets fall back to the global mean
    global_mean = jnp.mean(V, axis=0)
    prototypes = jnp.where((counts == 0.0)[:, None], global_mean[None, :], prototypes)
    proto_weighted = p_q @ prototypes
    residual = proto_weighted @ W_r.T
    entropy = -jnp.sum(p_q * jnp.log(p_q + 1e-09), axis=-1)
    max_entropy = jnp.log(jnp.asarray(float(B), dtype=jnp.float32))
    confidence = 1.0 - entropy / max_entropy
    gate = (1.0 - confidence)[:, None]
    h = h_fused + gate * residual
    # LayerNorm (torch default: biased variance, eps=1e-5, elementwise affine)
    mean = jnp.mean(h, axis=-1, keepdims=True)
    var = jnp.mean((h - mean) ** 2, axis=-1, keepdims=True)
    h_norm = (h - mean) / jnp.sqrt(var + 1e-05) * ln_gamma + ln_beta
    return (h_norm, confidence)

if __name__ == "__main__":
    import jax
    _d = setup_inputs()
    print(jax.jit(kernel)(*tuple(_d.values())))

</pallas_src>

<mosaic_0001>
#map = affine_map<(d0, d1) -> (0, 0)>
#map1 = affine_map<(d0, d1) -> (0)>
module attributes {stable_mosaic.version = 14 : i64} {
  func.func @_seg_body(%arg0: i32, %arg1: i32, %arg2: memref<100000x128xf32, #tpu.memory_space<hbm>>, %arg3: memref<100000xi32, #tpu.memory_space<hbm>>, %arg4: memref<2048x128xf32, #tpu.memory_space<hbm>>, %arg5: memref<2048x128xf32, #tpu.memory_space<hbm>>, %arg6: memref<128xi32, #tpu.memory_space<vmem>>, %arg7: memref<128x128xf32, #tpu.memory_space<vmem>>, %arg8: memref<32xi32, #tpu.memory_space<vmem>>, %arg9: memref<32x128xf32, #tpu.memory_space<vmem>>, %arg10: memref<64x128xf32, #tpu.memory_space<vmem>>, %arg11: memref<128x128xf32, #tpu.memory_space<vmem>>, %arg12: memref<1024x128xf32, #tpu.memory_space<vmem_shared>>, %arg13: memref<1024x128xf32, #tpu.memory_space<vmem_shared>>) attributes {dimension_semantics = [#tpu.dimension_semantics<core_parallel>, #tpu.dimension_semantics<subcore_parallel>], iteration_bounds = array<i64: 2, 16>, scalar_prefetch = 0 : i64, scratch_operands = 8 : i64, tpu.core_type = #tpu.core_type<sc_vector_subcore>, window_params = [{transform_indices = #map}, {transform_indices = #map1}, {transform_indices = #map}, {transform_indices = #map}]} {
    %mul3A = arith.constant 2 : i32
    %mul3A_0 = arith.muli %arg1, %mul3A : i32
    %add3A = arith.addi %mul3A_0, %arg0 : i32
    %scan3A = arith.constant 0 : i32
    %scan3A_1 = arith.constant 0 : i32
    %scan3A_2 = arith.constant 64 : i32
    %scan3A_3 = arith.addi %scan3A_1, %scan3A_2 : i32
    %scan3A_4 = arith.constant 1 : i32
    scf.for %scan3A_41 = %scan3A_1 to %scan3A_3 step %scan3A_4  : i32 {
      %broadcast_in_dim3A = arith.constant 0.000000e+00 : f32
      %broadcast_in_dim3A_42 = vector.broadcast %broadcast_in_dim3A : f32 to vector<16xf32>
      %swap3A = arith.index_cast %scan3A_41 : i32 to index
      %swap3A_43 = arith.constant 0 : index
      %swap3A_44 = tpu.vector_load %arg10[%swap3A, %swap3A_43] {strides = array<i32>} : memref<64x128xf32, #tpu.memory_space<vmem>>, vector<1x16xf32>,
      %swap3A_45 = vector.shape_cast %swap3A_44 : vector<1x16xf32> to vector<16xf32>
      %swap3A_46 = vector.shape_cast %broadcast_in_dim3A_42 : vector<16xf32> to vector<1x16xf32>
      tpu.vector_store %arg10[%swap3A, %swap3A_43], %swap3A_46 {strides = array<i32>} : memref<64x128xf32, #tpu.memory_space<vmem>>, vector<1x16xf32>,
      %broadcast_in_dim3A_47 = arith.constant 0.000000e+00 : f32
      %broadcast_in_dim3A_48 = vector.broadcast %broadcast_in_dim3A_47 : f32 to vector<16xf32>
      %swap3A_49 = arith.index_cast %scan3A_41 : i32 to index
      %swap3A_50 = arith.constant 16 : index
      %swap3A_51 = tpu.vector_load %arg10[%swap3A_49, %swap3A_50] {strides = array<i32>} : memref<64x128xf32, #tpu.memory_space<vmem>>, vector<1x16xf32>,
      %swap3A_52 = vector.shape_cast %swap3A_51 : vector<1x16xf32> to vector<16xf32>
      %swap3A_53 = vector.shape_cast %broadcast_in_dim3A_48 : vector<16xf32> to vector<1x16xf32>
      tpu.vector_store %arg10[%swap3A_49, %swap3A_50], %swap3A_53 {strides = array<i32>} : memref<64x128xf32, #tpu.memory_space<vmem>>, vector<1x16xf32>,
      %broadcast_in_dim3A_54 = arith.constant 0.000000e+00 : f32
      %broadcast_in_dim3A_55 = vector.broadcast %broadcast_in_dim3A_54 : f32 to vector<16xf32>
      %swap3A_56 = arith.index_cast %scan3A_41 : i32 to index
      %swap3A_57 = arith.constant 32 : index
      %swap3A_58 = tpu.vector_load %arg10[%swap3A_56, %swap3A_57] {strides = array<i32>} : memref<64x128xf32, #tpu.memory_space<vmem>>, vector<1x16xf32>,
      %swap3A_59 = vector.shape_cast %swap3A_58 : vector<1x16xf32> to vector<16xf32>
      %swap3A_60 = vector.shape_cast %broadcast_in_dim3A_55 : vector<16xf32> to vector<1x16xf32>
      tpu.vector_store %arg10[%swap3A_56, %swap3A_57], %swap3A_60 {strides = array<i32>} : memref<64x128xf32, #tpu.memory_space<vmem>>, vector<1x16xf32>,
      %broadcast_in_dim3A_61 = arith.constant 0.000000e+00 : f32
      %broadcast_in_dim3A_62 = vector.broadcast %broadcast_in_dim3A_61 : f32 to vector<16xf32>
      %swap3A_63 = arith.index_cast %scan3A_41 : i32 to index
      %swap3A_64 = arith.constant 48 : index
      %swap3A_65 = tpu.vector_load %arg10[%swap3A_63, %swap3A_64] {strides = array<i32>} : memref<64x128xf32, #tpu.memory_space<vmem>>, vector<1x16xf32>,
      %swap3A_66 = vector.shape_cast %swap3A_65 : vector<1x16xf32> to vector<16xf32>
      %swap3A_67 = vector.shape_cast %broadcast_in_dim3A_62 : vector<16xf32> to vector<1x16xf32>
      tpu.vector_store %arg10[%swap3A_63, %swap3A_64], %swap3A_67 {strides = array<i32>} : memref<64x128xf32, #tpu.memory_space<vmem>>, vector<1x16xf32>,
      %broadcast_in_dim3A_68 = arith.constant 0.000000e+00 : f32
      %broadcast_in_dim3A_69 = vector.broadcast %broadcast_in_dim3A_68 : f32 to vector<16xf32>
      %swap3A_70 = arith.index_cast %scan3A_41 : i32 to index
      %swap3A_71 = arith.constant 64 : index
      %swap3A_72 = tpu.vector_load %arg10[%swap3A_70, %swap3A_71] {strides = array<i32>} : memref<64x128xf32, #tpu.memory_space<vmem>>, vector<1x16xf32>,
      %swap3A_73 = vector.shape_cast %swap3A_72 : vector<1x16xf32> to vector<16xf32>
      %swap3A_74 = vector.shape_cast %broadcast_in_dim3A_69 : vector<16xf32> to vector<1x16xf32>
      tpu.vector_store %arg10[%swap3A_70, %swap3A_71], %swap3A_74 {strides = array<i32>} : memref<64x128xf32, #tpu.memory_space<vmem>>, vector<1x16xf32>,
      %broadcast_in_dim3A_75 = arith.constant 0.000000e+00 : f32
      %broadcast_in_dim3A_76 = vector.broadcast %broadcast_in_dim3A_75 : f32 to vector<16xf32>
      %swap3A_77 = arith.index_cast %scan3A_41 : i32 to index
      %swap3A_78 = arith.constant 80 : index
      %swap3A_79 = tpu.vector_load %arg10[%swap3A_77, %swap3A_78] {strides = array<i32>} : memref<64x128xf32, #tpu.memory_space<vmem>>, vector<1x16xf32>,
      %swap3A_80 = vector.shape_cast %swap3A_79 : vector<1x16xf32> to vector<16xf32>
      %swap3A_81 = vector.shape_cast %broadcast_in_dim3A_76 : vector<16xf32> to vector<1x16xf32>
      tpu.vector_store %arg10[%swap3A_77, %swap3A_78], %swap3A_81 {strides = array<i32>} : memref<64x128xf32, #tpu.memory_space<vmem>>, vector<1x16xf32>,
      %broadcast_in_dim3A_82 = arith.constant 0.000000e+00 : f32
      %broadcast_in_dim3A_83 = vector.broadcast %broadcast_in_dim3A_82 : f32 to vector<16xf32>
      %swap3A_84 = arith.index_cast %scan3A_41 : i32 to index
      %swap3A_85 = arith.constant 96 : index
      %swap3A_86 = tpu.vector_load %arg10[%swap3A_84, %swap3A_85] {strides = array<i32>} : memref<64x128xf32, #tpu.memory_space<vmem>>, vector<1x16xf32>,
      %swap3A_87 = vector.shape_cast %swap3A_86 : vector<1x16xf32> to vector<16xf32>
      %swap3A_88 = vector.shape_cast %broadcast_in_dim3A_83 : vector<16xf32> to vector<1x16xf32>
      tpu.vector_store %arg10[%swap3A_84, %swap3A_85], %swap3A_88 {strides = array<i32>} : memref<64x128xf32, #tpu.memory_space<vmem>>, vector<1x16xf32>,
      %broadcast_in_dim3A_89 = arith.constant 0.000000e+00 : f32
      %broadcast_in_dim3A_90 = vector.broadcast %broadcast_in_dim3A_89 : f32 to vector<16xf32>
      %swap3A_91 = arith.index_cast %scan3A_41 : i32 to index
      %swap3A_92 = arith.constant 112 : index
      %swap3A_93 = tpu.vector_load %arg10[%swap3A_91, %swap3A_92] {strides = array<i32>} : memref<64x128xf32, #tpu.memory_space<vmem>>, vector<1x16xf32>,
      %swap3A_94 = vector.shape_cast %swap3A_93 : vector<1x16xf32> to vector<16xf32>
      %swap3A_95 = vector.shape_cast %broadcast_in_dim3A_90 : vector<16xf32> to vector<1x16xf32>
      tpu.vector_store %arg10[%swap3A_91, %swap3A_92], %swap3A_95 {strides = array<i32>} : memref<64x128xf32, #tpu.memory_space<vmem>>, vector<1x16xf32>,
    }
    %scan3A_5 = arith.constant 64 : i32
    %scan3A_6 = arith.constant 0 : i32
    %scan3A_7 = arith.constant 0 : i32
    %scan3A_8 = arith.constant 128 : i32
    %scan3A_9 = arith.addi %scan3A_7, %scan3A_8 : i32
    %scan3A_10 = arith.constant 1 : i32
    scf.for %scan3A_41 = %scan3A_7 to %scan3A_9 step %scan3A_10  : i32 {
      %broadcast_in_dim3A = arith.constant 1.000000e+00 : f32
      %broadcast_in_dim3A_42 = vector.broadcast %broadcast_in_dim3A : f32 to vector<16xf32>
      %swap3A = arith.index_cast %scan3A_41 : i32 to index
      %swap3A_43 = arith.constant 0 : index
      %swap3A_44 = tpu.vector_load %arg11[%swap3A, %swap3A_43] {strides = array<i32>} : memref<128x128xf32, #tpu.memory_space<vmem>>, vector<1x16xf32>,
      %swap3A_45 = vector.shape_cast %swap3A_44 : vector<1x16xf32> to vector<16xf32>
      %swap3A_46 = vector.shape_cast %broadcast_in_dim3A_42 : vector<16xf32> to vector<1x16xf32>
      tpu.vector_store %arg11[%swap3A, %swap3A_43], %swap3A_46 {strides = array<i32>} : memref<128x128xf32, #tpu.memory_space<vmem>>, vector<1x16xf32>,
      %broadcast_in_dim3A_47 = arith.constant 1.000000e+00 : f32
      %broadcast_in_dim3A_48 = vector.broadcast %broadcast_in_dim3A_47 : f32 to vector<16xf32>
      %swap3A_49 = arith.index_cast %scan3A_41 : i32 to index
      %swap3A_50 = arith.constant 16 : index
      %swap3A_51 = tpu.vector_load %arg11[%swap3A_49, %swap3A_50] {strides = array<i32>} : memref<128x128xf32, #tpu.memory_space<vmem>>, vector<1x16xf32>,
      %swap3A_52 = vector.shape_cast %swap3A_51 : vector<1x16xf32> to vector<16xf32>
      %swap3A_53 = vector.shape_cast %broadcast_in_dim3A_48 : vector<16xf32> to vector<1x16xf32>
      tpu.vector_store %arg11[%swap3A_49, %swap3A_50], %swap3A_53 {strides = array<i32>} : memref<128x128xf32, #tpu.memory_space<vmem>>, vector<1x16xf32>,
      %broadcast_in_dim3A_54 = arith.constant 1.000000e+00 : f32
      %broadcast_in_dim3A_55 = vector.broadcast %broadcast_in_dim3A_54 : f32 to vector<16xf32>
      %swap3A_56 = arith.index_cast %scan3A_41 : i32 to index
      %swap3A_57 = arith.constant 32 : index
      %swap3A_58 = tpu.vector_load %arg11[%swap3A_56, %swap3A_57] {strides = array<i32>} : memref<128x128xf32, #tpu.memory_space<vmem>>, vector<1x16xf32>,
      %swap3A_59 = vector.shape_cast %swap3A_58 : vector<1x16xf32> to vector<16xf32>
      %swap3A_60 = vector.shape_cast %broadcast_in_dim3A_55 : vector<16xf32> to vector<1x16xf32>
      tpu.vector_store %arg11[%swap3A_56, %swap3A_57], %swap3A_60 {strides = array<i32>} : memref<128x128xf32, #tpu.memory_space<vmem>>, vector<1x16xf32>,
      %broadcast_in_dim3A_61 = arith.constant 1.000000e+00 : f32
      %broadcast_in_dim3A_62 = vector.broadcast %broadcast_in_dim3A_61 : f32 to vector<16xf32>
      %swap3A_63 = arith.index_cast %scan3A_41 : i32 to index
      %swap3A_64 = arith.constant 48 : index
      %swap3A_65 = tpu.vector_load %arg11[%swap3A_63, %swap3A_64] {strides = array<i32>} : memref<128x128xf32, #tpu.memory_space<vmem>>, vector<1x16xf32>,
      %swap3A_66 = vector.shape_cast %swap3A_65 : vector<1x16xf32> to vector<16xf32>
      %swap3A_67 = vector.shape_cast %broadcast_in_dim3A_62 : vector<16xf32> to vector<1x16xf32>
      tpu.vector_store %arg11[%swap3A_63, %swap3A_64], %swap3A_67 {strides = array<i32>} : memref<128x128xf32, #tpu.memory_space<vmem>>, vector<1x16xf32>,
      %broadcast_in_dim3A_68 = arith.constant 1.000000e+00 : f32
      %broadcast_in_dim3A_69 = vector.broadcast %broadcast_in_dim3A_68 : f32 to vector<16xf32>
      %swap3A_70 = arith.index_cast %scan3A_41 : i32 to index
      %swap3A_71 = arith.constant 64 : index
      %swap3A_72 = tpu.vector_load %arg11[%swap3A_70, %swap3A_71] {strides = array<i32>} : memref<128x128xf32, #tpu.memory_space<vmem>>, vector<1x16xf32>,
      %swap3A_73 = vector.shape_cast %swap3A_72 : vector<1x16xf32> to vector<16xf32>
      %swap3A_74 = vector.shape_cast %broadcast_in_dim3A_69 : vector<16xf32> to vector<1x16xf32>
      tpu.vector_store %arg11[%swap3A_70, %swap3A_71], %swap3A_74 {strides = array<i32>} : memref<128x128xf32, #tpu.memory_space<vmem>>, vector<1x16xf32>,
      %broadcast_in_dim3A_75 = arith.constant 1.000000e+00 : f32
      %broadcast_in_dim3A_76 = vector.broadcast %broadcast_in_dim3A_75 : f32 to vector<16xf32>
      %swap3A_77 = arith.index_cast %scan3A_41 : i32 to index
      %swap3A_78 = arith.constant 80 : index
      %swap3A_79 = tpu.vector_load %arg11[%swap3A_77, %swap3A_78] {strides = array<i32>} : memref<128x128xf32, #tpu.memory_space<vmem>>, vector<1x16xf32>,
      %swap3A_80 = vector.shape_cast %swap3A_79 : vector<1x16xf32> to vector<16xf32>
      %swap3A_81 = vector.shape_cast %broadcast_in_dim3A_76 : vector<16xf32> to vector<1x16xf32>
      tpu.vector_store %arg11[%swap3A_77, %swap3A_78], %swap3A_81 {strides = array<i32>} : memref<128x128xf32, #tpu.memory_space<vmem>>, vector<1x16xf32>,
      %broadcast_in_dim3A_82 = arith.constant 1.000000e+00 : f32
      %broadcast_in_dim3A_83 = vector.broadcast %broadcast_in_dim3A_82 : f32 to vector<16xf32>
      %swap3A_84 = arith.index_cast %scan3A_41 : i32 to index
      %swap3A_85 = arith.constant 96 : index
      %swap3A_86 = tpu.vector_load %arg11[%swap3A_84, %swap3A_85] {strides = array<i32>} : memref<128x128xf32, #tpu.memory_space<vmem>>, vector<1x16xf32>,
      %swap3A_87 = vector.shape_cast %swap3A_86 : vector<1x16xf32> to vector<16xf32>
      %swap3A_88 = vector.shape_cast %broadcast_in_dim3A_83 : vector<16xf32> to vector<1x16xf32>
      tpu.vector_store %arg11[%swap3A_84, %swap3A_85], %swap3A_88 {strides = array<i32>} : memref<128x128xf32, #tpu.memory_space<vmem>>, vector<1x16xf32>,
      %broadcast_in_dim3A_89 = arith.constant 1.000000e+00 : f32
      %broadcast_in_dim3A_90 = vector.broadcast %broadcast_in_dim3A_89 : f32 to vector<16xf32>
      %swap3A_91 = arith.index_cast %scan3A_41 : i32 to index
      %swap3A_92 = arith.constant 112 : index
      %swap3A_93 = tpu.vector_load %arg11[%swap3A_91, %swap3A_92] {strides = array<i32>} : memref<128x128xf32, #tpu.memory_space<vmem>>, vector<1x16xf32>,
      %swap3A_94 = vector.shape_cast %swap3A_93 : vector<1x16xf32> to vector<16xf32>
      %swap3A_95 = vector.shape_cast %broadcast_in_dim3A_90 : vector<16xf32> to vector<1x16xf32>
      tpu.vector_store %arg11[%swap3A_91, %swap3A_92], %swap3A_95 {strides = array<i32>} : memref<128x128xf32, #tpu.memory_space<vmem>>, vector<1x16xf32>,
    }
    %scan3A_11 = arith.constant 128 : i32
    %mul3A_12 = arith.constant 64 : i32
    %mul3A_13 = arith.muli %arg1, %mul3A_12 : i32
    "tpu.region"() ({
      %run_scoped3A = tpu.sem_alloc : memref<!tpu.dma_semaphore, #tpu.memory_space<semaphore_mem>>
      %dma_start3A = arith.constant 0 : i32
      %dma_start3A_41 = tpu.memref_slice %arg12[%mul3A_13, %dma_start3A] : memref<1024x128xf32, #tpu.memory_space<vmem_shared>> -> memref<64x128xf32, #tpu.memory_space<vmem_shared>>
      %dma_start3A_42 = arith.constant 0 : i32
      %dma_start3A_43 = tpu.memref_slice %arg12[%mul3A_13, %dma_start3A_42] : memref<1024x128xf32, #tpu.memory_space<vmem_shared>> -> memref<64x128xf32, #tpu.memory_space<vmem_shared>>
      tpu.enqueue_dma source(%arg10 : memref<64x128xf32, #tpu.memory_space<vmem>>) target(%dma_start3A_43 : memref<64x128xf32, #tpu.memory_space<vmem_shared>>) target_semaphore(%run_scoped3A : memref<!tpu.dma_semaphore, #tpu.memory_space<semaphore_mem>>)
      %dma_wait3A = arith.constant 0 : i32
      %dma_wait3A_44 = tpu.memref_slice %arg12[%mul3A_13, %dma_wait3A] : memref<1024x128xf32, #tpu.memory_space<vmem_shared>> -> memref<64x128xf32, #tpu.memory_space<vmem_shared>>
      %dma_wait3A_45 = arith.constant 0 : i32
      %dma_wait3A_46 = tpu.memref_slice %arg12[%mul3A_13, %dma_wait3A_45] : memref<1024x128xf32, #tpu.memory_space<vmem_shared>> -> memref<64x128xf32, #tpu.memory_space<vmem_shared>>
      tpu.wait_dma2 semaphore(%run_scoped3A : memref<!tpu.dma_semaphore, #tpu.memory_space<semaphore_mem>>) src(%arg10 : memref<64x128xf32, #tpu.memory_space<vmem>>) dst(%dma_wait3A_46 : memref<64x128xf32, #tpu.memory_space<vmem_shared>>)
      tpu.yield
    }) : () -> ()
    %mul3A_14 = arith.constant 64 : i32
    %mul3A_15 = arith.muli %arg1, %mul3A_14 : i32
    "tpu.region"() ({
      %run_scoped3A = tpu.sem_alloc : memref<!tpu.dma_semaphore, #tpu.memory_space<semaphore_mem>>
      %dma_start3A = arith.constant 0 : i32
      %dma_start3A_41 = tpu.memref_slice %arg13[%mul3A_15, %dma_start3A] : memref<1024x128xf32, #tpu.memory_space<vmem_shared>> -> memref<64x128xf32, #tpu.memory_space<vmem_shared>>
      %dma_start3A_42 = arith.constant 0 : i32
      %dma_start3A_43 = tpu.memref_slice %arg13[%mul3A_15, %dma_start3A_42] : memref<1024x128xf32, #tpu.memory_space<vmem_shared>> -> memref<64x128xf32, #tpu.memory_space<vmem_shared>>
      tpu.enqueue_dma source(%arg10 : memref<64x128xf32, #tpu.memory_space<vmem>>) target(%dma_start3A_43 : memref<64x128xf32, #tpu.memory_space<vmem_shared>>) target_semaphore(%run_scoped3A : memref<!tpu.dma_semaphore, #tpu.memory_space<semaphore_mem>>)
      %dma_wait3A = arith.constant 0 : i32
      %dma_wait3A_44 = tpu.memref_slice %arg13[%mul3A_15, %dma_wait3A] : memref<1024x128xf32, #tpu.memory_space<vmem_shared>> -> memref<64x128xf32, #tpu.memory_space<vmem_shared>>
      %dma_wait3A_45 = arith.constant 0 : i32
      %dma_wait3A_46 = tpu.memref_slice %arg13[%mul3A_15, %dma_wait3A_45] : memref<1024x128xf32, #tpu.memory_space<vmem_shared>> -> memref<64x128xf32, #tpu.memory_space<vmem_shared>>
      tpu.wait_dma2 semaphore(%run_scoped3A : memref<!tpu.dma_semaphore, #tpu.memory_space<semaphore_mem>>) src(%arg10 : memref<64x128xf32, #tpu.memory_space<vmem>>) dst(%dma_wait3A_46 : memref<64x128xf32, #tpu.memory_space<vmem_shared>>)
      tpu.yield
    }) : () -> ()
    %lt3A = arith.constant 13 : i32
    %lt3A_16 = arith.cmpi slt, %add3A, %lt3A : i32
    %jit3A = arith.constant 1 : i32
    %jit3A_17 = arith.constant 0 : i32
    %select_n3A = arith.select %lt3A_16, %jit3A, %jit3A_17 : i32
    %add3A_18 = arith.constant 24 : i32
    %add3A_19 = arith.addi %add3A_18, %select_n3A : i32
    %mul3A_20 = arith.constant 64 : i32
    %mul3A_21 = arith.muli %arg1, %mul3A_20 : i32
    %while3A = arith.constant 0 : i32
    %while3A_22 = arith.constant 0 : i32
    %while3A_23 = arith.subi %add3A_19, %while3A_22 : i32
    %while3A_24 = arith.addi %while3A_22, %while3A_23 : i32
    %while3A_25 = arith.constant 1 : i32
    %while3A_26 = arith.divsi %while3A_23, %while3A_25 : i32
    %while3A_27 = arith.muli %while3A_26, %while3A_25 : i32
    %while3A_28 = arith.addi %while3A_22, %while3A_27 : i32
    %while3A_29 = arith.constant 1 : i32
    scf.for %while3A_41 = %while3A_22 to %while3A_28 step %while3A_29  : i32 {
      %mul3A_42 = arith.constant 32 : i32
      %mul3A_43 = arith.muli %while3A_41, %mul3A_42 : i32
      %add3A_44 = arith.addi %add3A, %mul3A_43 : i32
      %mul3A_45 = arith.constant 128 : i32
      %mul3A_46 = arith.muli %add3A_44, %mul3A_45 : i32
      "tpu.region"() ({
        %run_scoped3A = tpu.sem_alloc : memref<!tpu.dma_semaphore, #tpu.memory_space<semaphore_mem>>
        %dma_start3A = tpu.memref_slice %arg3[%mul3A_46] : memref<100000xi32, #tpu.memory_space<hbm>> -> memref<128xi32, #tpu.memory_space<hbm>>
        %dma_start3A_117 = tpu.memref_slice %arg3[%mul3A_46] : memref<100000xi32, #tpu.memory_space<hbm>> -> memref<128xi32, #tpu.memory_space<hbm>>
        tpu.enqueue_dma source(%dma_start3A_117 : memref<128xi32, #tpu.memory_space<hbm>>) target(%arg6 : memref<128xi32, #tpu.memory_space<vmem>>) target_semaphore(%run_scoped3A : memref<!tpu.dma_semaphore, #tpu.memory_space<semaphore_mem>>)
        %dma_wait3A = tpu.memref_slice %arg3[%mul3A_46] : memref<100000xi32, #tpu.memory_space<hbm>> -> memref<128xi32, #tpu.memory_space<hbm>>
        %dma_wait3A_118 = tpu.memref_slice %arg3[%mul3A_46] : memref<100000xi32, #tpu.memory_space<hbm>> -> memref<128xi32, #tpu.memory_space<hbm>>
        tpu.wait_dma2 semaphore(%run_scoped3A : memref<!tpu.dma_semaphore, #tpu.memory_space<semaphore_mem>>) src(%dma_wait3A_118 : memref<128xi32, #tpu.memory_space<hbm>>) dst(%arg6 : memref<128xi32, #tpu.memory_space<vmem>>)
        tpu.yield
      }) : () -> ()
      "tpu.region"() ({
        %run_scoped3A = tpu.sem_alloc : memref<!tpu.dma_semaphore, #tpu.memory_space<semaphore_mem>>
        %dma_start3A = arith.constant 0 : i32
        %dma_start3A_117 = tpu.memref_slice %arg2[%mul3A_46, %dma_start3A] : memref<100000x128xf32, #tpu.memory_space<hbm>> -> memref<128x128xf32, #tpu.memory_space<hbm>>
        %dma_start3A_118 = arith.constant 0 : i32
        %dma_start3A_119 = tpu.memref_slice %arg2[%mul3A_46, %dma_start3A_118] : memref<100000x128xf32, #tpu.memory_space<hbm>> -> memref<128x128xf32, #tpu.memory_space<hbm>>
        tpu.enqueue_dma source(%dma_start3A_119 : memref<128x128xf32, #tpu.memory_space<hbm>>) target(%arg7 : memref<128x128xf32, #tpu.memory_space<vmem>>) target_semaphore(%run_scoped3A : memref<!tpu.dma_semaphore, #tpu.memory_space<semaphore_mem>>)
        %dma_wait3A = arith.constant 0 : i32
        %dma_wait3A_120 = tpu.memref_slice %arg2[%mul3A_46, %dma_wait3A] : memref<100000x128xf32, #tpu.memory_space<hbm>> -> memref<128x128xf32, #tpu.memory_space<hbm>>
        %dma_wait3A_121 = arith.constant 0 : i32
        %dma_wait3A_122 = tpu.memref_slice %arg2[%mul3A_46, %dma_wait3A_121] : memref<100000x128xf32, #tpu.memory_space<hbm>> -> memref<128x128xf32, #tpu.memory_space<hbm>>
        tpu.wait_dma2 semaphore(%run_scoped3A : memref<!tpu.dma_semaphore, #tpu.memory_space<semaphore_mem>>) src(%dma_wait3A_122 : memref<128x128xf32, #tpu.memory_space<hbm>>) dst(%arg7 : memref<128x128xf32, #tpu.memory_space<vmem>>)
        tpu.yield
      }) : () -> ()
      %get3A = arith.constant 0 : index
      %get3A_47 = tpu.vector_load %arg6[%get3A] {strides = array<i32>} : memref<128xi32, #tpu.memory_space<vmem>>, vector<16xi32>,
      %get3A_48 = vector.shape_cast %get3A_47 : vector<16xi32> to vector<16xi32>
      %add3A_49 = vector.broadcast %mul3A_21 : i32 to vector<16xi32>
      %add3A_50 = arith.addi %get3A_48, %add3A_49 : vector<16xi32>
      %swap3A = arith.constant 0 : index
      %swap3A_51 = tpu.vector_load %arg6[%swap3A] {strides = array<i32>} : memref<128xi32, #tpu.memory_space<vmem>>, vector<16xi32>,
      %swap3A_52 = vector.shape_cast %swap3A_51 : vector<16xi32> to vector<16xi32>
      %swap3A_53 = vector.shape_cast %add3A_50 : vector<16xi32> to vector<16xi32>
      tpu.vector_store %arg6[%swap3A], %swap3A_53 {strides = array<i32>} : memref<128xi32, #tpu.memory_space<vmem>>, vector<16xi32>,
      %get3A_54 = arith.constant 16 : index
      %get3A_55 = tpu.vector_load %arg6[%get3A_54] {strides = array<i32>} : memref<128xi32, #tpu.memory_space<vmem>>, vector<16xi32>,
      %get3A_56 = vector.shape_cast %get3A_55 : vector<16xi32> to vector<16xi32>
      %add3A_57 = vector.broadcast %mul3A_21 : i32 to vector<16xi32>
      %add3A_58 = arith.addi %get3A_56, %add3A_57 : vector<16xi32>
      %swap3A_59 = arith.constant 16 : index
      %swap3A_60 = tpu.vector_load %arg6[%swap3A_59] {strides = array<i32>} : memref<128xi32, #tpu.memory_space<vmem>>, vector<16xi32>,
      %swap3A_61 = vector.shape_cast %swap3A_60 : vector<16xi32> to vector<16xi32>
      %swap3A_62 = vector.shape_cast %add3A_58 : vector<16xi32> to vector<16xi32>
      tpu.vector_store %arg6[%swap3A_59], %swap3A_62 {strides = array<i32>} : memref<128xi32, #tpu.memory_space<vmem>>, vector<16xi32>,
      %get3A_63 = arith.constant 32 : index
      %get3A_64 = tpu.vector_load %arg6[%get3A_63] {strides = array<i32>} : memref<128xi32, #tpu.memory_space<vmem>>, vector<16xi32>,
      %get3A_65 = vector.shape_cast %get3A_64 : vector<16xi32> to vector<16xi32>
      %add3A_66 = vector.broadcast %mul3A_21 : i32 to vector<16xi32>
      %add3A_67 = arith.addi %get3A_65, %add3A_66 : vector<16xi32>
      %swap3A_68 = arith.constant 32 : index
      %swap3A_69 = tpu.vector_load %arg6[%swap3A_68] {strides = array<i32>} : memref<128xi32, #tpu.memory_space<vmem>>, vector<16xi32>,
      %swap3A_70 = vector.shape_cast %swap3A_69 : vector<16xi32> to vector<16xi32>
      %swap3A_71 = vector.shape_cast %add3A_67 : vector<16xi32> to vector<16xi32>
      tpu.vector_store %arg6[%swap3A_68], %swap3A_71 {strides = array<i32>} : memref<128xi32, #tpu.memory_space<vmem>>, vector<16xi32>,
      %get3A_72 = arith.constant 48 : index
      %get3A_73 = tpu.vector_load %arg6[%get3A_72] {strides = array<i32>} : memref<128xi32, #tpu.memory_space<vmem>>, vector<16xi32>,
      %get3A_74 = vector.shape_cast %get3A_73 : vector<16xi32> to vector<16xi32>
      %add3A_75 = vector.broadcast %mul3A_21 : i32 to vector<16xi32>
      %add3A_76 = arith.addi %get3A_74, %add3A_75 : vector<16xi32>
      %swap3A_77 = arith.constant 48 : index
      %swap3A_78 = tpu.vector_load %arg6[%swap3A_77] {strides = array<i32>} : memref<128xi32, #tpu.memory_space<vmem>>, vector<16xi32>,
      %swap3A_79 = vector.shape_cast %swap3A_78 : vector<16xi32> to vector<16xi32>
      %swap3A_80 = vector.shape_cast %add3A_76 : vector<16xi32> to vector<16xi32>
      tpu.vector_store %arg6[%swap3A_77], %swap3A_80 {strides = array<i32>} : memref<128xi32, #tpu.memory_space<vmem>>, vector<16xi32>,
      %get3A_81 = arith.constant 64 : index
      %get3A_82 = tpu.vector_load %arg6[%get3A_81] {strides = array<i32>} : memref<128xi32, #tpu.memory_space<vmem>>, vector<16xi32>,
      %get3A_83 = vector.shape_cast %get3A_82 : vector<16xi32> to vector<16xi32>
      %add3A_84 = vector.broadcast %mul3A_21 : i32 to vector<16xi32>
      %add3A_85 = arith.addi %get3A_83, %add3A_84 : vector<16xi32>
      %swap3A_86 = arith.constant 64 : index
      %swap3A_87 = tpu.vector_load %arg6[%swap3A_86] {strides = array<i32>} : memref<128xi32, #tpu.memory_space<vmem>>, vector<16xi32>,
      %swap3A_88 = vector.shape_cast %swap3A_87 : vector<16xi32> to vector<16xi32>
      %swap3A_89 = vector.shape_cast %add3A_85 : vector<16xi32> to vector<16xi32>
      tpu.vector_store %arg6[%swap3A_86], %swap3A_89 {strides = array<i32>} : memref<128xi32, #tpu.memory_space<vmem>>, vector<16xi32>,
      %get3A_90 = arith.constant 80 : index
      %get3A_91 = tpu.vector_load %arg6[%get3A_90] {strides = array<i32>} : memref<128xi32, #tpu.memory_space<vmem>>, vector<16xi32>,
      %get3A_92 = vector.shape_cast %get3A_91 : vector<16xi32> to vector<16xi32>
      %add3A_93 = vector.broadcast %mul3A_21 : i32 to vector<16xi32>
      %add3A_94 = arith.addi %get3A_92, %add3A_93 : vector<16xi32>
      %swap3A_95 = arith.constant 80 : index
      %swap3A_96 = tpu.vector_load %arg6[%swap3A_95] {strides = array<i32>} : memref<128xi32, #tpu.memory_space<vmem>>, vector<16xi32>,
      %swap3A_97 = vector.shape_cast %swap3A_96 : vector<16xi32> to vector<16xi32>
      %swap3A_98 = vector.shape_cast %add3A_94 : vector<16xi32> to vector<16xi32>
      tpu.vector_store %arg6[%swap3A_95], %swap3A_98 {strides = array<i32>} : memref<128xi32, #tpu.memory_space<vmem>>, vector<16xi32>,
      %get3A_99 = arith.constant 96 : index
      %get3A_100 = tpu.vector_load %arg6[%get3A_99] {strides = array<i32>} : memref<128xi32, #tpu.memory_space<vmem>>, vector<16xi32>,
      %get3A_101 = vector.shape_cast %get3A_100 : vector<16xi32> to vector<16xi32>
      %add3A_102 = vector.broadcast %mul3A_21 : i32 to vector<16xi32>
      %add3A_103 = arith.addi %get3A_101, %add3A_102 : vector<16xi32>
      %swap3A_104 = arith.constant 96 : index
      %swap3A_105 = tpu.vector_load %arg6[%swap3A_104] {strides = array<i32>} : memref<128xi32, #tpu.memory_space<vmem>>, vector<16xi32>,
      %swap3A_106 = vector.shape_cast %swap3A_105 : vector<16xi32> to vector<16xi32>
      %swap3A_107 = vector.shape_cast %add3A_103 : vector<16xi32> to vector<16xi32>
      tpu.vector_store %arg6[%swap3A_104], %swap3A_107 {strides = array<i32>} : memref<128xi32, #tpu.memory_space<vmem>>, vector<16xi32>,
      %get3A_108 = arith.constant 112 : index
      %get3A_109 = tpu.vector_load %arg6[%get3A_108] {strides = array<i32>} : memref<128xi32, #tpu.memory_space<vmem>>, vector<16xi32>,
      %get3A_110 = vector.shape_cast %get3A_109 : vector<16xi32> to vector<16xi32>
      %add3A_111 = vector.broadcast %mul3A_21 : i32 to vector<16xi32>
      %add3A_112 = arith.addi %get3A_110, %add3A_111 : vector<16xi32>
      %swap3A_113 = arith.constant 112 : index
      %swap3A_114 = tpu.vector_load %arg6[%swap3A_113] {strides = array<i32>} : memref<128xi32, #tpu.memory_space<vmem>>, vector<16xi32>,
      %swap3A_115 = vector.shape_cast %swap3A_114 : vector<16xi32> to vector<16xi32>
      %swap3A_116 = vector.shape_cast %add3A_112 : vector<16xi32> to vector<16xi32>
      tpu.vector_store %arg6[%swap3A_113], %swap3A_116 {strides = array<i32>} : memref<128xi32, #tpu.memory_space<vmem>>, vector<16xi32>,
      "tpu.region"() ({
        %run_scoped3A = tpu.sem_alloc : memref<!tpu.dma_semaphore, #tpu.memory_space<semaphore_mem>>
        %dma_start3A = arith.constant 0 : i32
        %dma_start3A_117 = arith.constant 0 : i32
        %dma_start3A_118 = tpu.memref_slice %arg12[%dma_start3A, %dma_start3A_117] : memref<1024x128xf32, #tpu.memory_space<vmem_shared>> -> memref<1024x128xf32, #tpu.memory_space<vmem_shared>>
        tpu.enqueue_indirect_dma source(%arg7 : memref<128x128xf32, #tpu.memory_space<vmem>>) target(%dma_start3A_118 : memref<1024x128xf32, #tpu.memory_space<vmem_shared>>) offsets(%arg6 : memref<128xi32, #tpu.memory_space<vmem>>) semaphore(%run_scoped3A : memref<!tpu.dma_semaphore, #tpu.memory_space<semaphore_mem>>) {add = true}
        %dma_wait3A = arith.constant 0 : i32
        %dma_wait3A_119 = arith.constant 0 : i32
        %dma_wait3A_120 = tpu.memref_slice %arg12[%dma_wait3A, %dma_wait3A_119] : memref<1024x128xf32, #tpu.memory_space<vmem_shared>> -> memref<1024x128xf32, #tpu.memory_space<vmem_shared>>
        tpu.wait_indirect_dma semaphore(%run_scoped3A : memref<!tpu.dma_semaphore, #tpu.memory_space<semaphore_mem>>) src(%arg7 : memref<128x128xf32, #tpu.memory_space<vmem>>) dst(%dma_wait3A_120 : memref<1024x128xf32, #tpu.memory_space<vmem_shared>>)
        tpu.yield
      }) : () -> ()
      "tpu.region"() ({
        %run_scoped3A = tpu.sem_alloc : memref<!tpu.dma_semaphore, #tpu.memory_space<semaphore_mem>>
        %dma_start3A = arith.constant 0 : i32
        %dma_start3A_117 = arith.constant 0 : i32
        %dma_start3A_118 = tpu.memref_slice %arg13[%dma_start3A, %dma_start3A_117] : memref<1024x128xf32, #tpu.memory_space<vmem_shared>> -> memref<1024x128xf32, #tpu.memory_space<vmem_shared>>
        tpu.enqueue_indirect_dma source(%arg11 : memref<128x128xf32, #tpu.memory_space<vmem>>) target(%dma_start3A_118 : memref<1024x128xf32, #tpu.memory_space<vmem_shared>>) offsets(%arg6 : memref<128xi32, #tpu.memory_space<vmem>>) semaphore(%run_scoped3A : memref<!tpu.dma_semaphore, #tpu.memory_space<semaphore_mem>>) {add = true}
        %dma_wait3A = arith.constant 0 : i32
        %dma_wait3A_119 = arith.constant 0 : i32
        %dma_wait3A_120 = tpu.memref_slice %arg13[%dma_wait3A, %dma_wait3A_119] : memref<1024x128xf32, #tpu.memory_space<vmem_shared>> -> memref<1024x128xf32, #tpu.memory_space<vmem_shared>>
        tpu.wait_indirect_dma semaphore(%run_scoped3A : memref<!tpu.dma_semaphore, #tpu.memory_space<semaphore_mem>>) src(%arg11 : memref<128x128xf32, #tpu.memory_space<vmem>>) dst(%dma_wait3A_120 : memref<1024x128xf32, #tpu.memory_space<vmem_shared>>)
        tpu.yield
      }) : () -> ()
    }
    %while3A_30 = arith.constant 1 : i32
    scf.for %while3A_41 = %while3A_28 to %while3A_24 step %while3A_30  : i32 {
      %mul3A_42 = arith.constant 32 : i32
      %mul3A_43 = arith.muli %while3A_41, %mul3A_42 : i32
      %add3A_44 = arith.addi %add3A, %mul3A_43 : i32
      %mul3A_45 = arith.constant 128 : i32
      %mul3A_46 = arith.muli %add3A_44, %mul3A_45 : i32
      "tpu.region"() ({
        %run_scoped3A = tpu.sem_alloc : memref<!tpu.dma_semaphore, #tpu.memory_space<semaphore_mem>>
        %dma_start3A = tpu.memref_slice %arg3[%mul3A_46] : memref<100000xi32, #tpu.memory_space<hbm>> -> memref<128xi32, #tpu.memory_space<hbm>>
        %dma_start3A_117 = tpu.memref_slice %arg3[%mul3A_46] : memref<100000xi32, #tpu.memory_space<hbm>> -> memref<128xi32, #tpu.memory_space<hbm>>
        tpu.enqueue_dma source(%dma_start3A_117 : memref<128xi32, #tpu.memory_space<hbm>>) target(%arg6 : memref<128xi32, #tpu.memory_space<vmem>>) target_semaphore(%run_scoped3A : memref<!tpu.dma_semaphore, #tpu.memory_space<semaphore_mem>>)
        %dma_wait3A = tpu.memref_slice %arg3[%mul3A_46] : memref<100000xi32, #tpu.memory_space<hbm>> -> memref<128xi32, #tpu.memory_space<hbm>>
        %dma_wait3A_118 = tpu.memref_slice %arg3[%mul3A_46] : memref<100000xi32, #tpu.memory_space<hbm>> -> memref<128xi32, #tpu.memory_space<hbm>>
        tpu.wait_dma2 semaphore(%run_scoped3A : memref<!tpu.dma_semaphore, #tpu.memory_space<semaphore_mem>>) src(%dma_wait3A_118 : memref<128xi32, #tpu.memory_space<hbm>>) dst(%arg6 : memref<128xi32, #tpu.memory_space<vmem>>)
        tpu.yield
      }) : () -> ()
      "tpu.region"() ({
        %run_scoped3A = tpu.sem_alloc : memref<!tpu.dma_semaphore, #tpu.memory_space<semaphore_mem>>
        %dma_start3A = arith.constant 0 : i32
        %dma_start3A_117 = tpu.memref_slice %arg2[%mul3A_46, %dma_start3A] : memref<100000x128xf32, #tpu.memory_space<hbm>> -> memref<128x128xf32, #tpu.memory_space<hbm>>
        %dma_start3A_118 = arith.constant 0 : i32
        %dma_start3A_119 = tpu.memref_slice %arg2[%mul3A_46, %dma_start3A_118] : memref<100000x128xf32, #tpu.memory_space<hbm>> -> memref<128x128xf32, #tpu.memory_space<hbm>>
        tpu.enqueue_dma source(%dma_start3A_119 : memref<128x128xf32, #tpu.memory_space<hbm>>) target(%arg7 : memref<128x128xf32, #tpu.memory_space<vmem>>) target_semaphore(%run_scoped3A : memref<!tpu.dma_semaphore, #tpu.memory_space<semaphore_mem>>)
        %dma_wait3A = arith.constant 0 : i32
        %dma_wait3A_120 = tpu.memref_slice %arg2[%mul3A_46, %dma_wait3A] : memref<100000x128xf32, #tpu.memory_space<hbm>> -> memref<128x128xf32, #tpu.memory_space<hbm>>
        %dma_wait3A_121 = arith.constant 0 : i32
        %dma_wait3A_122 = tpu.memref_slice %arg2[%mul3A_46, %dma_wait3A_121] : memref<100000x128xf32, #tpu.memory_space<hbm>> -> memref<128x128xf32, #tpu.memory_space<hbm>>
        tpu.wait_dma2 semaphore(%run_scoped3A : memref<!tpu.dma_semaphore, #tpu.memory_space<semaphore_mem>>) src(%dma_wait3A_122 : memref<128x128xf32, #tpu.memory_space<hbm>>) dst(%arg7 : memref<128x128xf32, #tpu.memory_space<vmem>>)
        tpu.yield
      }) : () -> ()
      %get3A = arith.constant 0 : index
      %get3A_47 = tpu.vector_load %arg6[%get3A] {strides = array<i32>} : memref<128xi32, #tpu.memory_space<vmem>>, vector<16xi32>,
      %get3A_48 = vector.shape_cast %get3A_47 : vector<16xi32> to vector<16xi32>
      %add3A_49 = vector.broadcast %mul3A_21 : i32 to vector<16xi32>
      %add3A_50 = arith.addi %get3A_48, %add3A_49 : vector<16xi32>
      %swap3A = arith.constant 0 : index
      %swap3A_51 = tpu.vector_load %arg6[%swap3A] {strides = array<i32>} : memref<128xi32, #tpu.memory_space<vmem>>, vector<16xi32>,
      %swap3A_52 = vector.shape_cast %swap3A_51 : vector<16xi32> to vector<16xi32>
      %swap3A_53 = vector.shape_cast %add3A_50 : vector<16xi32> to vector<16xi32>
      tpu.vector_store %arg6[%swap3A], %swap3A_53 {strides = array<i32>} : memref<128xi32, #tpu.memory_space<vmem>>, vector<16xi32>,
      %get3A_54 = arith.constant 16 : index
      %get3A_55 = tpu.vector_load %arg6[%get3A_54] {strides = array<i32>} : memref<128xi32, #tpu.memory_space<vmem>>, vector<16xi32>,
      %get3A_56 = vector.shape_cast %get3A_55 : vector<16xi32> to vector<16xi32>
      %add3A_57 = vector.broadcast %mul3A_21 : i32 to vector<16xi32>
      %add3A_58 = arith.addi %get3A_56, %add3A_57 : vector<16xi32>
      %swap3A_59 = arith.constant 16 : index
      %swap3A_60 = tpu.vector_load %arg6[%swap3A_59] {strides = array<i32>} : memref<128xi32, #tpu.memory_space<vmem>>, vector<16xi32>,
      %swap3A_61 = vector.shape_cast %swap3A_60 : vector<16xi32> to vector<16xi32>
      %swap3A_62 = vector.shape_cast %add3A_58 : vector<16xi32> to vector<16xi32>
      tpu.vector_store %arg6[%swap3A_59], %swap3A_62 {strides = array<i32>} : memref<128xi32, #tpu.memory_space<vmem>>, vector<16xi32>,
      %get3A_63 = arith.constant 32 : index
      %get3A_64 = tpu.vector_load %arg6[%get3A_63] {strides = array<i32>} : memref<128xi32, #tpu.memory_space<vmem>>, vector<16xi32>,
      %get3A_65 = vector.shape_cast %get3A_64 : vector<16xi32> to vector<16xi32>
      %add3A_66 = vector.broadcast %mul3A_21 : i32 to vector<16xi32>
      %add3A_67 = arith.addi %get3A_65, %add3A_66 : vector<16xi32>
      %swap3A_68 = arith.constant 32 : index
      %swap3A_69 = tpu.vector_load %arg6[%swap3A_68] {strides = array<i32>} : memref<128xi32, #tpu.memory_space<vmem>>, vector<16xi32>,
      %swap3A_70 = vector.shape_cast %swap3A_69 : vector<16xi32> to vector<16xi32>
      %swap3A_71 = vector.shape_cast %add3A_67 : vector<16xi32> to vector<16xi32>
      tpu.vector_store %arg6[%swap3A_68], %swap3A_71 {strides = array<i32>} : memref<128xi32, #tpu.memory_space<vmem>>, vector<16xi32>,
      %get3A_72 = arith.constant 48 : index
      %get3A_73 = tpu.vector_load %arg6[%get3A_72] {strides = array<i32>} : memref<128xi32, #tpu.memory_space<vmem>>, vector<16xi32>,
      %get3A_74 = vector.shape_cast %get3A_73 : vector<16xi32> to vector<16xi32>
      %add3A_75 = vector.broadcast %mul3A_21 : i32 to vector<16xi32>
      %add3A_76 = arith.addi %get3A_74, %add3A_75 : vector<16xi32>
      %swap3A_77 = arith.constant 48 : index
      %swap3A_78 = tpu.vector_load %arg6[%swap3A_77] {strides = array<i32>} : memref<128xi32, #tpu.memory_space<vmem>>, vector<16xi32>,
      %swap3A_79 = vector.shape_cast %swap3A_78 : vector<16xi32> to vector<16xi32>
      %swap3A_80 = vector.shape_cast %add3A_76 : vector<16xi32> to vector<16xi32>
      tpu.vector_store %arg6[%swap3A_77], %swap3A_80 {strides = array<i32>} : memref<128xi32, #tpu.memory_space<vmem>>, vector<16xi32>,
      %get3A_81 = arith.constant 64 : index
      %get3A_82 = tpu.vector_load %arg6[%get3A_81] {strides = array<i32>} : memref<128xi32, #tpu.memory_space<vmem>>, vector<16xi32>,
      %get3A_83 = vector.shape_cast %get3A_82 : vector<16xi32> to vector<16xi32>
      %add3A_84 = vector.broadcast %mul3A_21 : i32 to vector<16xi32>
      %add3A_85 = arith.addi %get3A_83, %add3A_84 : vector<16xi32>
      %swap3A_86 = arith.constant 64 : index
      %swap3A_87 = tpu.vector_load %arg6[%swap3A_86] {strides = array<i32>} : memref<128xi32, #tpu.memory_space<vmem>>, vector<16xi32>,
      %swap3A_88 = vector.shape_cast %swap3A_87 : vector<16xi32> to vector<16xi32>
      %swap3A_89 = vector.shape_cast %add3A_85 : vector<16xi32> to vector<16xi32>
      tpu.vector_store %arg6[%swap3A_86], %swap3A_89 {strides = array<i32>} : memref<128xi32, #tpu.memory_space<vmem>>, vector<16xi32>,
      %get3A_90 = arith.constant 80 : index
      %get3A_91 = tpu.vector_load %arg6[%get3A_90] {strides = array<i32>} : memref<128xi32, #tpu.memory_space<vmem>>, vector<16xi32>,
      %get3A_92 = vector.shape_cast %get3A_91 : vector<16xi32> to vector<16xi32>
      %add3A_93 = vector.broadcast %mul3A_21 : i32 to vector<16xi32>
      %add3A_94 = arith.addi %get3A_92, %add3A_93 : vector<16xi32>
      %swap3A_95 = arith.constant 80 : index
      %swap3A_96 = tpu.vector_load %arg6[%swap3A_95] {strides = array<i32>} : memref<128xi32, #tpu.memory_space<vmem>>, vector<16xi32>,
      %swap3A_97 = vector.shape_cast %swap3A_96 : vector<16xi32> to vector<16xi32>
      %swap3A_98 = vector.shape_cast %add3A_94 : vector<16xi32> to vector<16xi32>
      tpu.vector_store %arg6[%swap3A_95], %swap3A_98 {strides = array<i32>} : memref<128xi32, #tpu.memory_space<vmem>>, vector<16xi32>,
      %get3A_99 = arith.constant 96 : index
      %get3A_100 = tpu.vector_load %arg6[%get3A_99] {strides = array<i32>} : memref<128xi32, #tpu.memory_space<vmem>>, vector<16xi32>,
      %get3A_101 = vector.shape_cast %get3A_100 : vector<16xi32> to vector<16xi32>
      %add3A_102 = vector.broadcast %mul3A_21 : i32 to vector<16xi32>
      %add3A_103 = arith.addi %get3A_101, %add3A_102 : vector<16xi32>
      %swap3A_104 = arith.constant 96 : index
      %swap3A_105 = tpu.vector_load %arg6[%swap3A_104] {strides = array<i32>} : memref<128xi32, #tpu.memory_space<vmem>>, vector<16xi32>,
      %swap3A_106 = vector.shape_cast %swap3A_105 : vector<16xi32> to vector<16xi32>
      %swap3A_107 = vector.shape_cast %add3A_103 : vector<16xi32> to vector<16xi32>
      tpu.vector_store %arg6[%swap3A_104], %swap3A_107 {strides = array<i32>} : memref<128xi32, #tpu.memory_space<vmem>>, vector<16xi32>,
      %get3A_108 = arith.constant 112 : index
      %get3A_109 = tpu.vector_load %arg6[%get3A_108] {strides = array<i32>} : memref<128xi32, #tpu.memory_space<vmem>>, vector<16xi32>,
      %get3A_110 = vector.shape_cast %get3A_109 : vector<16xi32> to vector<16xi32>
      %add3A_111 = vector.broadcast %mul3A_21 : i32 to vector<16xi32>
      %add3A_112 = arith.addi %get3A_110, %add3A_111 : vector<16xi32>
      %swap3A_113 = arith.constant 112 : index
      %swap3A_114 = tpu.vector_load %arg6[%swap3A_113] {strides = array<i32>} : memref<128xi32, #tpu.memory_space<vmem>>, vector<16xi32>,
      %swap3A_115 = vector.shape_cast %swap3A_114 : vector<16xi32> to vector<16xi32>
      %swap3A_116 = vector.shape_cast %add3A_112 : vector<16xi32> to vector<16xi32>
      tpu.vector_store %arg6[%swap3A_113], %swap3A_116 {strides = array<i32>} : memref<128xi32, #tpu.memory_space<vmem>>, vector<16xi32>,
      "tpu.region"() ({
        %run_scoped3A = tpu.sem_alloc : memref<!tpu.dma_semaphore, #tpu.memory_space<semaphore_mem>>
        %dma_start3A = arith.constant 0 : i32
        %dma_start3A_117 = arith.constant 0 : i32
        %dma_start3A_118 = tpu.memref_slice %arg12[%dma_start3A, %dma_start3A_117] : memref<1024x128xf32, #tpu.memory_space<vmem_shared>> -> memref<1024x128xf32, #tpu.memory_space<vmem_shared>>
        tpu.enqueue_indirect_dma source(%arg7 : memref<128x128xf32, #tpu.memory_space<vmem>>) target(%dma_start3A_118 : memref<1024x128xf32, #tpu.memory_space<vmem_shared>>) offsets(%arg6 : memref<128xi32, #tpu.memory_space<vmem>>) semaphore(%run_scoped3A : memref<!tpu.dma_semaphore, #tpu.memory_space<semaphore_mem>>) {add = true}
        %dma_wait3A = arith.constant 0 : i32
        %dma_wait3A_119 = arith.constant 0 : i32
        %dma_wait3A_120 = tpu.memref_slice %arg12[%dma_wait3A, %dma_wait3A_119] : memref<1024x128xf32, #tpu.memory_space<vmem_shared>> -> memref<1024x128xf32, #tpu.memory_space<vmem_shared>>
        tpu.wait_indirect_dma semaphore(%run_scoped3A : memref<!tpu.dma_semaphore, #tpu.memory_space<semaphore_mem>>) src(%arg7 : memref<128x128xf32, #tpu.memory_space<vmem>>) dst(%dma_wait3A_120 : memref<1024x128xf32, #tpu.memory_space<vmem_shared>>)
        tpu.yield
      }) : () -> ()
      "tpu.region"() ({
        %run_scoped3A = tpu.sem_alloc : memref<!tpu.dma_semaphore, #tpu.memory_space<semaphore_mem>>
        %dma_start3A = arith.constant 0 : i32
        %dma_start3A_117 = arith.constant 0 : i32
        %dma_start3A_118 = tpu.memref_slice %arg13[%dma_start3A, %dma_start3A_117] : memref<1024x128xf32, #tpu.memory_space<vmem_shared>> -> memref<1024x128xf32, #tpu.memory_space<vmem_shared>>
        tpu.enqueue_indirect_dma source(%arg11 : memref<128x128xf32, #tpu.memory_space<vmem>>) target(%dma_start3A_118 : memref<1024x128xf32, #tpu.memory_space<vmem_shared>>) offsets(%arg6 : memref<128xi32, #tpu.memory_space<vmem>>) semaphore(%run_scoped3A : memref<!tpu.dma_semaphore, #tpu.memory_space<semaphore_mem>>) {add = true}
        %dma_wait3A = arith.constant 0 : i32
        %dma_wait3A_119 = arith.constant 0 : i32
        %dma_wait3A_120 = tpu.memref_slice %arg13[%dma_wait3A, %dma_wait3A_119] : memref<1024x128xf32, #tpu.memory_space<vmem_shared>> -> memref<1024x128xf32, #tpu.memory_space<vmem_shared>>
        tpu.wait_indirect_dma semaphore(%run_scoped3A : memref<!tpu.dma_semaphore, #tpu.memory_space<semaphore_mem>>) src(%arg11 : memref<128x128xf32, #tpu.memory_space<vmem>>) dst(%dma_wait3A_120 : memref<1024x128xf32, #tpu.memory_space<vmem_shared>>)
        tpu.yield
      }) : () -> ()
    }
    %eq3A = arith.constant 0 : i32
    %eq3A_31 = arith.cmpi eq, %add3A, %eq3A : i32
    %convert_element_type3A = arith.extui %eq3A_31 : i1 to i32
    %cond3A = arith.constant 0 : i32
    %cond3A_32 = arith.cmpi ne, %convert_element_type3A, %cond3A : i32
    scf.if %cond3A_32 {
      "tpu.region"() ({
        %run_scoped3A = tpu.sem_alloc : memref<!tpu.dma_semaphore, #tpu.memory_space<semaphore_mem>>
        %dma_start3A = arith.constant 99968 : i32
        %dma_start3A_41 = tpu.memref_slice %arg3[%dma_start3A] : memref<100000xi32, #tpu.memory_space<hbm>> -> memref<32xi32, #tpu.memory_space<hbm>>
        %dma_start3A_42 = arith.constant 99968 : i32
        %dma_start3A_43 = tpu.memref_slice %arg3[%dma_start3A_42] : memref<100000xi32, #tpu.memory_space<hbm>> -> memref<32xi32, #tpu.memory_space<hbm>>
        tpu.enqueue_dma source(%dma_start3A_43 : memref<32xi32, #tpu.memory_space<hbm>>) target(%arg8 : memref<32xi32, #tpu.memory_space<vmem>>) target_semaphore(%run_scoped3A : memref<!tpu.dma_semaphore, #tpu.memory_space<semaphore_mem>>)
        %dma_wait3A = arith.constant 99968 : i32
        %dma_wait3A_44 = tpu.memref_slice %arg3[%dma_wait3A] : memref<100000xi32, #tpu.memory_space<hbm>> -> memref<32xi32, #tpu.memory_space<hbm>>
        %dma_wait3A_45 = arith.constant 99968 : i32
        %dma_wait3A_46 = tpu.memref_slice %arg3[%dma_wait3A_45] : memref<100000xi32, #tpu.memory_space<hbm>> -> memref<32xi32, #tpu.memory_space<hbm>>
        tpu.wait_dma2 semaphore(%run_scoped3A : memref<!tpu.dma_semaphore, #tpu.memory_space<semaphore_mem>>) src(%dma_wait3A_46 : memref<32xi32, #tpu.memory_space<hbm>>) dst(%arg8 : memref<32xi32, #tpu.memory_space<vmem>>)
        tpu.yield
      }) : () -> ()
      "tpu.region"() ({
        %run_scoped3A = tpu.sem_alloc : memref<!tpu.dma_semaphore, #tpu.memory_space<semaphore_mem>>
        %dma_start3A = arith.constant 99968 : i32
        %dma_start3A_41 = arith.constant 0 : i32
        %dma_start3A_42 = tpu.memref_slice %arg2[%dma_start3A, %dma_start3A_41] : memref<100000x128xf32, #tpu.memory_space<hbm>> -> memref<32x128xf32, #tpu.memory_space<hbm>>
        %dma_start3A_43 = arith.constant 99968 : i32
        %dma_start3A_44 = arith.constant 0 : i32
        %dma_start3A_45 = tpu.memref_slice %arg2[%dma_start3A_43, %dma_start3A_44] : memref<100000x128xf32, #tpu.memory_space<hbm>> -> memref<32x128xf32, #tpu.memory_space<hbm>>
        tpu.enqueue_dma source(%dma_start3A_45 : memref<32x128xf32, #tpu.memory_space<hbm>>) target(%arg9 : memref<32x128xf32, #tpu.memory_space<vmem>>) target_semaphore(%run_scoped3A : memref<!tpu.dma_semaphore, #tpu.memory_space<semaphore_mem>>)
        %dma_wait3A = arith.constant 99968 : i32
        %dma_wait3A_46 = arith.constant 0 : i32
        %dma_wait3A_47 = tpu.memref_slice %arg2[%dma_wait3A, %dma_wait3A_46] : memref<100000x128xf32, #tpu.memory_space<hbm>> -> memref<32x128xf32, #tpu.memory_space<hbm>>
        %dma_wait3A_48 = arith.constant 99968 : i32
        %dma_wait3A_49 = arith.constant 0 : i32
        %dma_wait3A_50 = tpu.memref_slice %arg2[%dma_wait3A_48, %dma_wait3A_49] : memref<100000x128xf32, #tpu.memory_space<hbm>> -> memref<32x128xf32, #tpu.memory_space<hbm>>
        tpu.wait_dma2 semaphore(%run_scoped3A : memref<!tpu.dma_semaphore, #tpu.memory_space<semaphore_mem>>) src(%dma_wait3A_50 : memref<32x128xf32, #tpu.memory_space<hbm>>) dst(%arg9 : memref<32x128xf32, #tpu.memory_space<vmem>>)
        tpu.yield
      }) : () -> ()
      "tpu.region"() ({
        %run_scoped3A = tpu.sem_alloc : memref<!tpu.dma_semaphore, #tpu.memory_space<semaphore_mem>>
        %dma_start3A = arith.constant 0 : i32
        %dma_start3A_41 = arith.constant 0 : i32
        %dma_start3A_42 = tpu.memref_slice %arg12[%dma_start3A, %dma_start3A_41] : memref<1024x128xf32, #tpu.memory_space<vmem_shared>> -> memref<1024x128xf32, #tpu.memory_space<vmem_shared>>
        tpu.enqueue_indirect_dma source(%arg9 : memref<32x128xf32, #tpu.memory_space<vmem>>) target(%dma_start3A_42 : memref<1024x128xf32, #tpu.memory_space<vmem_shared>>) offsets(%arg8 : memref<32xi32, #tpu.memory_space<vmem>>) semaphore(%run_scoped3A : memref<!tpu.dma_semaphore, #tpu.memory_space<semaphore_mem>>) {add = true}
        %dma_wait3A = arith.constant 0 : i32
        %dma_wait3A_43 = arith.constant 0 : i32
        %dma_wait3A_44 = tpu.memref_slice %arg12[%dma_wait3A, %dma_wait3A_43] : memref<1024x128xf32, #tpu.memory_space<vmem_shared>> -> memref<1024x128xf32, #tpu.memory_space<vmem_shared>>
        tpu.wait_indirect_dma semaphore(%run_scoped3A : memref<!tpu.dma_semaphore, #tpu.memory_space<semaphore_mem>>) src(%arg9 : memref<32x128xf32, #tpu.memory_space<vmem>>) dst(%dma_wait3A_44 : memref<1024x128xf32, #tpu.memory_space<vmem_shared>>)
        tpu.yield
      }) : () -> ()
      "tpu.region"() ({
        %run_scoped3A = tpu.sem_alloc : memref<!tpu.dma_semaphore, #tpu.memory_space<semaphore_mem>>
        %dma_start3A = arith.constant 0 : i32
        %dma_start3A_41 = arith.constant 0 : i32
        %dma_start3A_42 = tpu.memref_slice %arg11[%dma_start3A, %dma_start3A_41] : memref<128x128xf32, #tpu.memory_space<vmem>> -> memref<32x128xf32, #tpu.memory_space<vmem>>
        %dma_start3A_43 = arith.constant 0 : i32
        %dma_start3A_44 = arith.constant 0 : i32
        %dma_start3A_45 = tpu.memref_slice %arg13[%dma_start3A_43, %dma_start3A_44] : memref<1024x128xf32, #tpu.memory_space<vmem_shared>> -> memref<1024x128xf32, #tpu.memory_space<vmem_shared>>
        tpu.enqueue_indirect_dma source(%dma_start3A_42 : memref<32x128xf32, #tpu.memory_space<vmem>>) target(%dma_start3A_45 : memref<1024x128xf32, #tpu.memory_space<vmem_shared>>) offsets(%arg8 : memref<32xi32, #tpu.memory_space<vmem>>) semaphore(%run_scoped3A : memref<!tpu.dma_semaphore, #tpu.memory_space<semaphore_mem>>) {add = true}
        %dma_wait3A = arith.constant 0 : i32
        %dma_wait3A_46 = arith.constant 0 : i32
        %dma_wait3A_47 = tpu.memref_slice %arg11[%dma_wait3A, %dma_wait3A_46] : memref<128x128xf32, #tpu.memory_space<vmem>> -> memref<32x128xf32, #tpu.memory_space<vmem>>
        %dma_wait3A_48 = arith.constant 0 : i32
        %dma_wait3A_49 = arith.constant 0 : i32
        %dma_wait3A_50 = tpu.memref_slice %arg13[%dma_wait3A_48, %dma_wait3A_49] : memref<1024x128xf32, #tpu.memory_space<vmem_shared>> -> memref<1024x128xf32, #tpu.memory_space<vmem_shared>>
        tpu.wait_indirect_dma semaphore(%run_scoped3A : memref<!tpu.dma_semaphore, #tpu.memory_space<semaphore_mem>>) src(%dma_wait3A_47 : memref<32x128xf32, #tpu.memory_space<vmem>>) dst(%dma_wait3A_50 : memref<1024x128xf32, #tpu.memory_space<vmem_shared>>)
        tpu.yield
      }) : () -> ()
    } else {
    }
    %mul3A_33 = arith.constant 64 : i32
    %mul3A_34 = arith.muli %arg1, %mul3A_33 : i32
    "tpu.region"() ({
      %run_scoped3A = tpu.sem_alloc : memref<!tpu.dma_semaphore, #tpu.memory_space<semaphore_mem>>
      %dma_start3A = arith.constant 0 : i32
      %dma_start3A_41 = tpu.memref_slice %arg12[%mul3A_34, %dma_start3A] : memref<1024x128xf32, #tpu.memory_space<vmem_shared>> -> memref<64x128xf32, #tpu.memory_space<vmem_shared>>
      %dma_start3A_42 = arith.constant 0 : i32
      %dma_start3A_43 = tpu.memref_slice %arg12[%mul3A_34, %dma_start3A_42] : memref<1024x128xf32, #tpu.memory_space<vmem_shared>> -> memref<64x128xf32, #tpu.memory_space<vmem_shared>>
      tpu.enqueue_dma source(%dma_start3A_43 : memref<64x128xf32, #tpu.memory_space<vmem_shared>>) target(%arg10 : memref<64x128xf32, #tpu.memory_space<vmem>>) target_semaphore(%run_scoped3A : memref<!tpu.dma_semaphore, #tpu.memory_space<semaphore_mem>>)
      %dma_wait3A = arith.constant 0 : i32
      %dma_wait3A_44 = tpu.memref_slice %arg12[%mul3A_34, %dma_wait3A] : memref<1024x128xf32, #tpu.memory_space<vmem_shared>> -> memref<64x128xf32, #tpu.memory_space<vmem_shared>>
      %dma_wait3A_45 = arith.constant 0 : i32
      %dma_wait3A_46 = tpu.memref_slice %arg12[%mul3A_34, %dma_wait3A_45] : memref<1024x128xf32, #tpu.memory_space<vmem_shared>> -> memref<64x128xf32, #tpu.memory_space<vmem_shared>>
      tpu.wait_dma2 semaphore(%run_scoped3A : memref<!tpu.dma_semaphore, #tpu.memory_space<semaphore_mem>>) src(%dma_wait3A_46 : memref<64x128xf32, #tpu.memory_space<vmem_shared>>) dst(%arg10 : memref<64x128xf32, #tpu.memory_space<vmem>>)
      tpu.yield
    }) : () -> ()
    %mul3A_35 = arith.constant 64 : i32
    %mul3A_36 = arith.muli %add3A, %mul3A_35 : i32
    "tpu.region"() ({
      %run_scoped3A = tpu.sem_alloc : memref<!tpu.dma_semaphore, #tpu.memory_space<semaphore_mem>>
      %dma_start3A = arith.constant 0 : i32
      %dma_start3A_41 = tpu.memref_slice %arg4[%mul3A_36, %dma_start3A] : memref<2048x128xf32, #tpu.memory_space<hbm>> -> memref<64x128xf32, #tpu.memory_space<hbm>>
      %dma_start3A_42 = arith.constant 0 : i32
      %dma_start3A_43 = tpu.memref_slice %arg4[%mul3A_36, %dma_start3A_42] : memref<2048x128xf32, #tpu.memory_space<hbm>> -> memref<64x128xf32, #tpu.memory_space<hbm>>
      tpu.enqueue_dma source(%arg10 : memref<64x128xf32, #tpu.memory_space<vmem>>) target(%dma_start3A_43 : memref<64x128xf32, #tpu.memory_space<hbm>>) target_semaphore(%run_scoped3A : memref<!tpu.dma_semaphore, #tpu.memory_space<semaphore_mem>>)
      %dma_wait3A = arith.constant 0 : i32
      %dma_wait3A_44 = tpu.memref_slice %arg4[%mul3A_36, %dma_wait3A] : memref<2048x128xf32, #tpu.memory_space<hbm>> -> memref<64x128xf32, #tpu.memory_space<hbm>>
      %dma_wait3A_45 = arith.constant 0 : i32
      %dma_wait3A_46 = tpu.memref_slice %arg4[%mul3A_36, %dma_wait3A_45] : memref<2048x128xf32, #tpu.memory_space<hbm>> -> memref<64x128xf32, #tpu.memory_space<hbm>>
      tpu.wait_dma2 semaphore(%run_scoped3A : memref<!tpu.dma_semaphore, #tpu.memory_space<semaphore_mem>>) src(%arg10 : memref<64x128xf32, #tpu.memory_space<vmem>>) dst(%dma_wait3A_46 : memref<64x128xf32, #tpu.memory_space<hbm>>)
      tpu.yield
    }) : () -> ()
    %mul3A_37 = arith.constant 64 : i32
    %mul3A_38 = arith.muli %arg1, %mul3A_37 : i32
    "tpu.region"() ({
      %run_scoped3A = tpu.sem_alloc : memref<!tpu.dma_semaphore, #tpu.memory_space<semaphore_mem>>
      %dma_start3A = arith.constant 0 : i32
      %dma_start3A_41 = tpu.memref_slice %arg13[%mul3A_38, %dma_start3A] : memref<1024x128xf32, #tpu.memory_space<vmem_shared>> -> memref<64x128xf32, #tpu.memory_space<vmem_shared>>
      %dma_start3A_42 = arith.constant 0 : i32
      %dma_start3A_43 = tpu.memref_slice %arg13[%mul3A_38, %dma_start3A_42] : memref<1024x128xf32, #tpu.memory_space<vmem_shared>> -> memref<64x128xf32, #tpu.memory_space<vmem_shared>>
      tpu.enqueue_dma source(%dma_start3A_43 : memref<64x128xf32, #tpu.memory_space<vmem_shared>>) target(%arg10 : memref<64x128xf32, #tpu.memory_space<vmem>>) target_semaphore(%run_scoped3A : memref<!tpu.dma_semaphore, #tpu.memory_space<semaphore_mem>>)
      %dma_wait3A = arith.constant 0 : i32
      %dma_wait3A_44 = tpu.memref_slice %arg13[%mul3A_38, %dma_wait3A] : memref<1024x128xf32, #tpu.memory_space<vmem_shared>> -> memref<64x128xf32, #tpu.memory_space<vmem_shared>>
      %dma_wait3A_45 = arith.constant 0 : i32
      %dma_wait3A_46 = tpu.memref_slice %arg13[%mul3A_38, %dma_wait3A_45] : memref<1024x128xf32, #tpu.memory_space<vmem_shared>> -> memref<64x128xf32, #tpu.memory_space<vmem_shared>>
      tpu.wait_dma2 semaphore(%run_scoped3A : memref<!tpu.dma_semaphore, #tpu.memory_space<semaphore_mem>>) src(%dma_wait3A_46 : memref<64x128xf32, #tpu.memory_space<vmem_shared>>) dst(%arg10 : memref<64x128xf32, #tpu.memory_space<vmem>>)
      tpu.yield
    }) : () -> ()
    %mul3A_39 = arith.constant 64 : i32
    %mul3A_40 = arith.muli %add3A, %mul3A_39 : i32
    "tpu.region"() ({
      %run_scoped3A = tpu.sem_alloc : memref<!tpu.dma_semaphore, #tpu.memory_space<semaphore_mem>>
      %dma_start3A = arith.constant 0 : i32
      %dma_start3A_41 = tpu.memref_slice %arg5[%mul3A_40, %dma_start3A] : memref<2048x128xf32, #tpu.memory_space<hbm>> -> memref<64x128xf32, #tpu.memory_space<hbm>>
      %dma_start3A_42 = arith.constant 0 : i32
      %dma_start3A_43 = tpu.memref_slice %arg5[%mul3A_40, %dma_start3A_42] : memref<2048x128xf32, #tpu.memory_space<hbm>> -> memref<64x128xf32, #tpu.memory_space<hbm>>
      tpu.enqueue_dma source(%arg10 : memref<64x128xf32, #tpu.memory_space<vmem>>) target(%dma_start3A_43 : memref<64x128xf32, #tpu.memory_space<hbm>>) target_semaphore(%run_scoped3A : memref<!tpu.dma_semaphore, #tpu.memory_space<semaphore_mem>>)
      %dma_wait3A = arith.constant 0 : i32
      %dma_wait3A_44 = tpu.memref_slice %arg5[%mul3A_40, %dma_wait3A] : memref<2048x128xf32, #tpu.memory_space<hbm>> -> memref<64x128xf32, #tpu.memory_space<hbm>>
      %dma_wait3A_45 = arith.constant 0 : i32
      %dma_wait3A_46 = tpu.memref_slice %arg5[%mul3A_40, %dma_wait3A_45] : memref<2048x128xf32, #tpu.memory_space<hbm>> -> memref<64x128xf32, #tpu.memory_space<hbm>>
      tpu.wait_dma2 semaphore(%run_scoped3A : memref<!tpu.dma_semaphore, #tpu.memory_space<semaphore_mem>>) src(%arg10 : memref<64x128xf32, #tpu.memory_space<vmem>>) dst(%dma_wait3A_46 : memref<64x128xf32, #tpu.memory_space<hbm>>)
      tpu.yield
    }) : () -> ()
    return
  }
}

module attributes {stable_mosaic.version = 14 : i64} {
  func.func @_proto_body(%arg0: memref<2048x128xf32, #tpu.memory_space<vmem>>, %arg1: memref<2048x128xf32, #tpu.memory_space<vmem>>, %arg2: memref<128x128xf32, #tpu.memory_space<vmem>>, %arg3: memref<64x128xf32, #tpu.memory_space<vmem>>) attributes {dimension_semantics = [], scalar_prefetch = 0 : i64, scratch_operands = 0 : i64, tpu.core_type = #tpu.core_type<tc>} {
    %get3A = arith.constant 0 : index
    %get3A_0 = arith.constant 0 : index
    %get3A_1 = vector.load %arg0[%get3A, %get3A_0] : memref<2048x128xf32, #tpu.memory_space<vmem>>, vector<2048x128xf32>
    %reshape3A = vector.shape_cast %get3A_1 : vector<2048x128xf32> to vector<32x64x128xf32>
    %reduce_sum3A = arith.constant dense<0.000000e+00> : vector<64x128xf32>
    %reduce_sum3A_2 = vector.multi_reduction <add>, %reshape3A, %reduce_sum3A [0] : vector<32x64x128xf32> to vector<64x128xf32>
    %get3A_3 = arith.constant 0 : index
    %get3A_4 = arith.constant 0 : index
    %get3A_5 = vector.load %arg1[%get3A_3, %get3A_4] : memref<2048x128xf32, #tpu.memory_space<vmem>>, vector<2048x128xf32>
    %reshape3A_6 = vector.shape_cast %get3A_5 : vector<2048x128xf32> to vector<32x64x128xf32>
    %slice3A = vector.extract_strided_slice %reshape3A_6 {offsets = [0, 0, 0], sizes = [32, 64, 1], strides = [1, 1, 1]} : vector<32x64x128xf32> to vector<32x64x1xf32>
    %reduce_sum3A_7 = arith.constant dense<0.000000e+00> : vector<64x1xf32>
    %reduce_sum3A_8 = vector.multi_reduction <add>, %slice3A, %reduce_sum3A_7 [0] : vector<32x64x1xf32> to vector<64x1xf32>
    %reduce_sum3A_9 = arith.constant dense<0.000000e+00> : vector<128xf32>
    %reduce_sum3A_10 = vector.multi_reduction <add>, %reduce_sum3A_2, %reduce_sum3A_9 [0] : vector<64x128xf32> to vector<128xf32>
    %broadcast_in_dim3A = vector.shape_cast %reduce_sum3A_10 : vector<128xf32> to vector<1x128xf32>
    %mul3A = arith.constant 9.99999974E-6 : f32
    %mul3A_11 = vector.broadcast %mul3A : f32 to vector<1x128xf32>
    %mul3A_12 = arith.mulf %broadcast_in_dim3A, %mul3A_11 : vector<1x128xf32>
    %max3A = arith.constant 1.000000e+00 : f32
    %max3A_13 = vector.broadcast %max3A : f32 to vector<64x1xf32>
    %max3A_14 = arith.maximumf %reduce_sum3A_8, %max3A_13 : vector<64x1xf32>
    %div3A = vector.broadcast %max3A_14 : vector<64x1xf32> to vector<64x128xf32>
    %div3A_15 = arith.divf %reduce_sum3A_2, %div3A : vector<64x128xf32>
    %eq3A = arith.constant 0.000000e+00 : f32
    %eq3A_16 = vector.broadcast %eq3A : f32 to vector<64x1xf32>
    %eq3A_17 = arith.cmpf oeq, %reduce_sum3A_8, %eq3A_16 : vector<64x1xf32>
    %broadcast_in_dim3A_18 = vector.shape_cast %eq3A_17 : vector<64x1xi1> to vector<64x1xi1>
    %broadcast_in_dim3A_19 = vector.broadcast %broadcast_in_dim3A_18 : vector<64x1xi1> to vector<64x128xi1>
    %broadcast_in_dim3A_20 = vector.shape_cast %mul3A_12 : vector<1x128xf32> to vector<1x128xf32>
    %broadcast_in_dim3A_21 = vector.broadcast %broadcast_in_dim3A_20 : vector<1x128xf32> to vector<64x128xf32>
    %select_n3A = arith.select %broadcast_in_dim3A_19, %broadcast_in_dim3A_21, %div3A_15 : vector<64x128xi1>, vector<64x128xf32>
    %get3A_22 = arith.constant 0 : index
    %get3A_23 = arith.constant 0 : index
    %get3A_24 = vector.load %arg2[%get3A_22, %get3A_23] : memref<128x128xf32, #tpu.memory_space<vmem>>, vector<128x128xf32>
    %dot_general3A = arith.constant dense<0.000000e+00> : vector<64x128xf32>
    %dot_general3A_25 = tpu.matmul %select_n3A, %get3A_24, %dot_general3A {dimension_numbers = #tpu.dot_dimension_numbers<[1], [1], [0], [0], [0, 0, 1, 0], [], []>, transpose_lhs_hint = false} : vector<64x128xf32>, vector<128x128xf32>, vector<64x128xf32> -> vector<64x128xf32>
    %swap3A = arith.constant 0 : index
    %swap3A_26 = arith.constant 0 : index
    %swap3A_27 = vector.load %arg3[%swap3A, %swap3A_26] : memref<64x128xf32, #tpu.memory_space<vmem>>, vector<64x128xf32>
    tpu.vector_store %arg3[%swap3A, %swap3A_26], %dot_general3A_25 {strides = array<i32>} : memref<64x128xf32, #tpu.memory_space<vmem>>, vector<64x128xf32>,
    return
  }
}

module attributes {stable_mosaic.version = 14 : i64} {
  func.func @_dense_body(%arg0: i32, %arg1: memref<2048x128xf32, #tpu.memory_space<vmem>>, %arg2: memref<2048x64xf32, #tpu.memory_space<vmem>>, %arg3: memref<64x128xf32, #tpu.memory_space<vmem>>, %arg4: memref<1x128xf32, #tpu.memory_space<vmem>>, %arg5: memref<1x128xf32, #tpu.memory_space<vmem>>, %arg6: memref<2048x128xf32, #tpu.memory_space<vmem>>, %arg7: memref<2048x1xf32, #tpu.memory_space<vmem>>) attributes {dimension_semantics = [#tpu.dimension_semantics<parallel>], iteration_bounds = array<i64: 49>, scalar_prefetch = 0 : i64, scratch_operands = 0 : i64, tpu.core_type = #tpu.core_type<tc>, window_params = [{transform_indices = @transform_0, window_bounds = array<i64: 2048, 128>}, {transform_indices = @transform_1, window_bounds = array<i64: 2048, 64>}, {pipeline_mode = #tpu.pipeline_mode<synchronous>, transform_indices = @transform_2, window_bounds = array<i64: 64, 128>}, {pipeline_mode = #tpu.pipeline_mode<synchronous>, transform_indices = @transform_3, window_bounds = array<i64: 1, 128>}, {pipeline_mode = #tpu.pipeline_mode<synchronous>, transform_indices = @transform_4, window_bounds = array<i64: 1, 128>}, {transform_indices = @transform_5, window_bounds = array<i64: 2048, 128>}, {transform_indices = @transform_6, window_bounds = array<i64: 2048, 1>}]} {
    %get3A = arith.constant 0 : index
    %get3A_0 = arith.constant 0 : index
    %get3A_1 = vector.load %arg2[%get3A, %get3A_0] : memref<2048x64xf32, #tpu.memory_space<vmem>>, vector<2048x64xf32>
    %reduce_max3A = arith.constant dense<0xFF800000> : vector<2048xf32>
    %reduce_max3A_2 = vector.multi_reduction <maximumf>, %get3A_1, %reduce_max3A [1] : vector<2048x64xf32> to vector<2048xf32>
    %broadcast_in_dim3A = vector.shape_cast %reduce_max3A_2 : vector<2048xf32> to vector<2048x1xf32>
    %sub3A = vector.broadcast %broadcast_in_dim3A : vector<2048x1xf32> to vector<2048x64xf32>
    %sub3A_3 = arith.subf %get3A_1, %sub3A : vector<2048x64xf32>
    %exp3A = math.exp %sub3A_3 : vector<2048x64xf32>
    %reduce_sum3A = arith.constant dense<0.000000e+00> : vector<2048xf32>
    %reduce_sum3A_4 = vector.multi_reduction <add>, %exp3A, %reduce_sum3A [1] : vector<2048x64xf32> to vector<2048xf32>
    %broadcast_in_dim3A_5 = vector.shape_cast %reduce_sum3A_4 : vector<2048xf32> to vector<2048x1xf32>
    %div3A = vector.broadcast %broadcast_in_dim3A_5 : vector<2048x1xf32> to vector<2048x64xf32>
    %div3A_6 = arith.divf %exp3A, %div3A : vector<2048x64xf32>
    %log3A = math.log %broadcast_in_dim3A_5 : vector<2048x1xf32>
    %add3A = arith.addf %broadcast_in_dim3A, %log3A : vector<2048x1xf32>
    %mul3A = arith.mulf %div3A_6, %get3A_1 : vector<2048x64xf32>
    %reduce_sum3A_7 = arith.constant dense<0.000000e+00> : vector<2048xf32>
    %reduce_sum3A_8 = vector.multi_reduction <add>, %mul3A, %reduce_sum3A_7 [1] : vector<2048x64xf32> to vector<2048xf32>
    %broadcast_in_dim3A_9 = vector.shape_cast %reduce_sum3A_8 : vector<2048xf32> to vector<2048x1xf32>
    %sub3A_10 = arith.subf %add3A, %broadcast_in_dim3A_9 : vector<2048x1xf32>
    %mul3A_11 = arith.constant 0.240449175 : f32
    %mul3A_12 = vector.broadcast %mul3A_11 : f32 to vector<2048x1xf32>
    %mul3A_13 = arith.mulf %sub3A_10, %mul3A_12 : vector<2048x1xf32>
    %get3A_14 = arith.constant 0 : index
    %get3A_15 = arith.constant 0 : index
    %get3A_16 = vector.load %arg3[%get3A_14, %get3A_15] : memref<64x128xf32, #tpu.memory_space<vmem>>, vector<64x128xf32>
    %dot_general3A = arith.constant dense<0.000000e+00> : vector<2048x128xf32>
    %dot_general3A_17 = tpu.matmul %div3A_6, %get3A_16, %dot_general3A {dimension_numbers = #tpu.dot_dimension_numbers<[1], [0], [0], [1], [0, 0, 1, 1], [], []>, transpose_lhs_hint = false} : vector<2048x64xf32>, vector<64x128xf32>, vector<2048x128xf32> -> vector<2048x128xf32>
    %get3A_18 = arith.constant 0 : index
    %get3A_19 = arith.constant 0 : index
    %get3A_20 = vector.load %arg1[%get3A_18, %get3A_19] : memref<2048x128xf32, #tpu.memory_space<vmem>>, vector<2048x128xf32>
    %mul3A_21 = vector.broadcast %mul3A_13 : vector<2048x1xf32> to vector<2048x128xf32>
    %mul3A_22 = arith.mulf %mul3A_21, %dot_general3A_17 : vector<2048x128xf32>
    %add3A_23 = arith.addf %get3A_20, %mul3A_22 : vector<2048x128xf32>
    %reduce_sum3A_24 = arith.constant dense<0.000000e+00> : vector<2048xf32>
    %reduce_sum3A_25 = vector.multi_reduction <add>, %add3A_23, %reduce_sum3A_24 [1] : vector<2048x128xf32> to vector<2048xf32>
    %broadcast_in_dim3A_26 = vector.shape_cast %reduce_sum3A_25 : vector<2048xf32> to vector<2048x1xf32>
    %div3A_27 = arith.constant 1.280000e+02 : f32
    %div3A_28 = vector.broadcast %div3A_27 : f32 to vector<2048x1xf32>
    %div3A_29 = arith.divf %broadcast_in_dim3A_26, %div3A_28 : vector<2048x1xf32>
    %sub3A_30 = vector.broadcast %div3A_29 : vector<2048x1xf32> to vector<2048x128xf32>
    %sub3A_31 = arith.subf %add3A_23, %sub3A_30 : vector<2048x128xf32>
    %integer_pow3A = arith.mulf %sub3A_31, %sub3A_31 : vector<2048x128xf32>
    %reduce_sum3A_32 = arith.constant dense<0.000000e+00> : vector<2048xf32>
    %reduce_sum3A_33 = vector.multi_reduction <add>, %integer_pow3A, %reduce_sum3A_32 [1] : vector<2048x128xf32> to vector<2048xf32>
    %broadcast_in_dim3A_34 = vector.shape_cast %reduce_sum3A_33 : vector<2048xf32> to vector<2048x1xf32>
    %div3A_35 = arith.constant 1.280000e+02 : f32
    %div3A_36 = vector.broadcast %div3A_35 : f32 to vector<2048x1xf32>
    %div3A_37 = arith.divf %broadcast_in_dim3A_34, %div3A_36 : vector<2048x1xf32>
    %sub3A_38 = vector.broadcast %div3A_29 : vector<2048x1xf32> to vector<2048x128xf32>
    %sub3A_39 = arith.subf %add3A_23, %sub3A_38 : vector<2048x128xf32>
    %add3A_40 = arith.constant 9.99999974E-6 : f32
    %add3A_41 = vector.broadcast %add3A_40 : f32 to vector<2048x1xf32>
    %add3A_42 = arith.addf %div3A_37, %add3A_41 : vector<2048x1xf32>
    %rsqrt3A = math.rsqrt %add3A_42 : vector<2048x1xf32>
    %mul3A_43 = vector.broadcast %rsqrt3A : vector<2048x1xf32> to vector<2048x128xf32>
    %mul3A_44 = arith.mulf %sub3A_39, %mul3A_43 : vector<2048x128xf32>
    %get3A_45 = arith.constant 0 : index
    %get3A_46 = arith.constant 0 : index
    %get3A_47 = vector.load %arg4[%get3A_45, %get3A_46] : memref<1x128xf32, #tpu.memory_space<vmem>>, vector<1x128xf32>
    %mul3A_48 = vector.broadcast %get3A_47 : vector<1x128xf32> to vector<2048x128xf32>
    %mul3A_49 = arith.mulf %mul3A_44, %mul3A_48 : vector<2048x128xf32>
    %get3A_50 = arith.constant 0 : index
    %get3A_51 = arith.constant 0 : index
    %get3A_52 = vector.load %arg5[%get3A_50, %get3A_51] : memref<1x128xf32, #tpu.memory_space<vmem>>, vector<1x128xf32>
    %add3A_53 = vector.broadcast %get3A_52 : vector<1x128xf32> to vector<2048x128xf32>
    %add3A_54 = arith.addf %mul3A_49, %add3A_53 : vector<2048x128xf32>
    %swap3A = arith.constant 0 : index
    %swap3A_55 = arith.constant 0 : index
    %swap3A_56 = vector.load %arg6[%swap3A, %swap3A_55] : memref<2048x128xf32, #tpu.memory_space<vmem>>, vector<2048x128xf32>
    tpu.vector_store %arg6[%swap3A, %swap3A_55], %add3A_54 {strides = array<i32>} : memref<2048x128xf32, #tpu.memory_space<vmem>>, vector<2048x128xf32>,
    %sub3A_57 = arith.constant 1.000000e+00 : f32
    %sub3A_58 = vector.broadcast %sub3A_57 : f32 to vector<2048x1xf32>
    %sub3A_59 = arith.subf %sub3A_58, %mul3A_13 : vector<2048x1xf32>
    %swap3A_60 = arith.constant 0 : index
    %swap3A_61 = arith.constant 0 : index
    %swap3A_62 = vector.load %arg7[%swap3A_60, %swap3A_61] : memref<2048x1xf32, #tpu.memory_space<vmem>>, vector<2048x1xf32>
    tpu.vector_store %arg7[%swap3A_60, %swap3A_61], %sub3A_59 {strides = array<i32>} : memref<2048x1xf32, #tpu.memory_space<vmem>>, vector<2048x1xf32>,
    return
  }
  func.func @transform_0(%arg0: i32) -> (i32, i32) {
    %c0_i32 = arith.constant 0 : i32
    %c0_i32_0 = arith.constant 0 : i32
    return %arg0, %c0_i32 : i32, i32
  }
  func.func @transform_1(%arg0: i32) -> (i32, i32) {
    %c0_i32 = arith.constant 0 : i32
    %c0_i32_0 = arith.constant 0 : i32
    return %arg0, %c0_i32 : i32, i32
  }
  func.func @transform_2(%arg0: i32) -> (i32, i32) {
    %c0_i32 = arith.constant 0 : i32
    %c0_i32_0 = arith.constant 0 : i32
    %c0_i32_1 = arith.constant 0 : i32
    return %c0_i32, %c0_i32_0 : i32, i32
  }
  func.func @transform_3(%arg0: i32) -> (i32, i32) {
    %c0_i32 = arith.constant 0 : i32
    %c0_i32_0 = arith.constant 0 : i32
    %c0_i32_1 = arith.constant 0 : i32
    return %c0_i32, %c0_i32_0 : i32, i32
  }
  func.func @transform_4(%arg0: i32) -> (i32, i32) {
    %c0_i32 = arith.constant 0 : i32
    %c0_i32_0 = arith.constant 0 : i32
    %c0_i32_1 = arith.constant 0 : i32
    return %c0_i32, %c0_i32_0 : i32, i32
  }
  func.func @transform_5(%arg0: i32) -> (i32, i32) {
    %c0_i32 = arith.constant 0 : i32
    %c0_i32_0 = arith.constant 0 : i32
    return %arg0, %c0_i32 : i32, i32
  }
  func.func @transform_6(%arg0: i32) -> (i32, i32) {
    %c0_i32 = arith.constant 0 : i32
    %c0_i32_0 = arith.constant 0 : i32
    return %arg0, %c0_i32 : i32, i32
  }
}

</mosaic_0001>

<sc_bundles>
// kernel: kernel.5.cloned.1.call-start
scs
__scs_entry_jumppad:
0x0: {  	(pc) =	sbr.rel $0x88, $3  }
0x1: {  	(tag) =	ssettag $0x0;
	lr =	simm.s32 $0x1  }
0x2: {  	[smem:$0x3F9A] =	sst lr;
	_ =	strace $0xD0000000  }
0x3: {  	_ = 	snop  }
0x4: {  	_ = 	snop  }
0x5: {  	_ = 	snop  }
0x6: {  	_ = 	snop  }
0x7: {  	_ = 	snop  }
__scs_overlays_trampoline_lowered:
0x8: {  	[smem:$0x3FA9] =	sst s0  }
0x9: {  	[smem:$0x3FAA] =	sst s1  }
0xa: {  	[smem:$0x3FAB] =	sst s2  }
0xb: {  	[smem:$0x3FAC] =	sst s3  }
0xc: {  	[smem:$0x3FAD] =	sst s4  }
0xd: {  	[smem:$0x3FAE] =	sst s5  }
0xe: {  	[smem:$0x3FAF] =	sst s6  }
0xf: {  	[smem:$0x3FB0] =	sst s7  }
0x10: {  	[smem:$0x3FB1] =	sst s8  }
0x11: {  	[smem:$0x3FB2] =	sst s9;
	s0 =	simm.s32 @!p0 $0x0  }
0x12: {  	s1 =	sld [smem:$0x3F98];
	s0 =	simm.s32 @p0 $0x1  }
0x13: {  	[smem:$0x3FB3] =	sst s0;
	s0 =	simm.s32 @!p1 $0x0  }
0x14: {  	s2 =	sld [smem:$0x3F97];
	s0 =	simm.s32 @p1 $0x1  }
0x15: {  	[smem:$0x3FB4] =	sst s0;
	s0 =	simm.s32 @!p2 $0x0  }
0x16: {  	s3 =	sld [smem:$0x3FDB];
	s0 =	simm.s32 @p2 $0x1  }
0x17: {  	s4 =	simm.s32 $0x1BF5;
	[smem:$0x3FB6] =	sst s0  }
0x18: {  	s0 =	sld [smem:$0x3F99];
	_ =	swait.ge [sflag:s4], $0x0  }
0x19: {  	s7 =	sld [smem:$0x3F9A]  }
0x1a: {  	s8 =	sadd.s32 $0xFFFFE003, lr  }
0x1b: {  	s9 =	sadd.s32 $0xFFFFFEF7, lr;
	s5 =	simm.s32 $0xFFFFFFFF;
	p2 =	slt.u32 s8, $0xFFFFF086  }
0x1c: {  	p1 =	slt.u32 s9, $0xF7A;
	s5 =	simm.s32 @!p2 $0x0  }
0x1d: {  	s5 =	simm.s32 @p1 $0x1;
	p0 =	seq.s32 s7, s2  }
0x1e: {  	s7 =	smul.u32 @!p0 $0xF7A, s2;
	p2 =	seq.s32 @!p0 s5, $0x0  }
0x1f: {  	s9 =	smul.u32 $0xF7A, s1;
	s8 =	simm.s32 @!p0 $0x1BF5;
	p2 =	por !p2, p0  }
0x20: {  	[sflag:s8] =	ssyncset.s32 @!p0 $0xFFFFF086;
	s6 =	sadd.s32 @!p0 s3, s7;
	s7 =	simm.s32 @!p0 $0x108  }
0x21: {  	s3 =	sadd.s32 s3, s9;
	s6 =	sadd.s32 @!p0 $0x88, s6;
	s7 =	simm.s32 @p2 $0x1082  }
0x22: {  	[simem:s7], [sflag:s8] =	dma.local @!p0 [hbm:s6], $0xF7A  }
0x23: {  	s9 =	sor.u32 $0xD0000000, s2;
	s6 =	simm.s32 $0x108;
	_ =	swait.ge @!p0 [sflag:s8], $0x0  }
0x24: {  	s3 =	sadd.s32 $0x88, s3;
	s6 =	simm.s32 @!p1 $0x1082;
	[sflag:s4] =	ssyncset.s32 $0xFFFFF086  }
0x25: {  	[simem:s6], [sflag:s4] =	dma.local [hbm:s3], $0xF7A  }
0x26: {  	[smem:$0x3F9A] =	sst s1;
	(tag) =	ssettag s2;
	_ =	strace s9  }
0x27: {  	s1 =	sld [smem:$0x3FAA]  }
0x28: {  	s2 =	sld [smem:$0x3FAB]  }
0x29: {  	s4 =	sld [smem:$0x3FAD]  }
0x2a: {  	p0 =	seq.s32 s5, $0x0;
	s5 =	sld [smem:$0x3FAE]  }
0x2b: {  	s6 =	sld [smem:$0x3FAF]  }
0x2c: {  	s7 =	sld [smem:$0x3FB0]  }
0x2d: {  	s3 =	simm.s32 $0x108;
	s8 =	sld [smem:$0x3FB1]  }
0x2e: {  	s3 =	simm.s32 @!p0 $0x1082;
	s9 =	sld [smem:$0x3FB2]  }
0x2f: {  	lr =	sadd.s32 s0, s3;
	s0 =	sld [smem:$0x3FA9]  }
0x30: {  	s3 =	sld [smem:$0x3FAC]  }
0x31: {  	[smem:$0x3FB5] =	sst s10  }
0x32: {  	s10 =	sld [smem:$0x3FB3];
	_ =	sdelay $0x3  }
0x33: {  	p0 =	seq.s32 s10, $0x1;
	s10 =	sld [smem:$0x3FB5];
	_ =	sdelay $0x3  }
0x34: {  	[smem:$0x3FB5] =	sst s10  }
0x35: {  	s10 =	sld [smem:$0x3FB4];
	_ =	sdelay $0x3  }
0x36: {  	p1 =	seq.s32 s10, $0x1;
	s10 =	sld [smem:$0x3FB5];
	_ =	sdelay $0x3  }
0x37: {  	[smem:$0x3FB5] =	sst s10  }
0x38: {  	s10 =	sld [smem:$0x3FB6]  }
0x39: {  	_ = 	snop;
	(pc) =	sbr.ind lr, $3  }
0x3a: {  	_ = 	snop  }
0x3b: {  	_ = 	snop  }
0x3c: {  	p2 =	seq.s32 s10, $0x1;
	s10 =	sld [smem:$0x3FB5]  }
0x3d: {  	_ =	shalt  }
0x3e: {  	_ =	shalt  }
0x3f: {  	_ =	shalt  }
0x40: {  	_ =	shalt  }
0x41: {  	_ =	shalt  }
0x42: {  	_ =	shalt  }
0x43: {  	_ =	shalt  }
0x44: {  	_ =	shalt  }
0x45: {  	_ =	shalt  }
0x46: {  	_ =	shalt  }
0x47: {  	_ =	shalt  }
0x48: {  	_ =	shalt  }
0x49: {  	_ =	shalt  }
0x4a: {  	_ =	shalt  }
0x4b: {  	_ =	shalt  }
0x4c: {  	_ =	shalt  }
0x4d: {  	_ =	shalt  }
0x4e: {  	_ =	shalt  }
0x4f: {  	_ =	shalt  }
0x50: {  	_ =	shalt  }
0x51: {  	_ =	shalt  }
0x52: {  	_ =	shalt  }
0x53: {  	_ =	shalt  }
0x54: {  	_ =	shalt  }
0x55: {  	_ =	shalt  }
0x56: {  	_ =	shalt  }
0x57: {  	_ =	shalt  }
0x58: {  	_ =	shalt  }
0x59: {  	_ =	shalt  }
0x5a: {  	_ =	shalt  }
0x5b: {  	_ =	shalt  }
0x5c: {  	_ =	shalt  }
0x5d: {  	_ =	shalt  }
0x5e: {  	_ =	shalt  }
0x5f: {  	_ =	shalt  }
0x60: {  	_ =	shalt  }
0x61: {  	_ =	shalt  }
0x62: {  	_ =	shalt  }
0x63: {  	_ =	shalt  }
0x64: {  	_ =	shalt  }
0x65: {  	_ =	shalt  }
0x66: {  	_ =	shalt  }
0x67: {  	_ =	shalt  }
0x68: {  	_ =	shalt  }
0x69: {  	_ =	shalt  }
0x6a: {  	_ =	shalt  }
0x6b: {  	_ =	shalt  }
0x6c: {  	_ =	shalt  }
0x6d: {  	_ =	shalt  }
0x6e: {  	_ =	shalt  }
0x6f: {  	_ =	shalt  }
0x70: {  	_ =	shalt  }
0x71: {  	_ =	shalt  }
0x72: {  	_ =	shalt  }
0x73: {  	_ =	shalt  }
0x74: {  	_ =	shalt  }
0x75: {  	_ =	shalt  }
0x76: {  	_ =	shalt  }
0x77: {  	_ =	shalt  }
0x78: {  	_ =	shalt  }
0x79: {  	_ =	shalt  }
0x7a: {  	_ =	shalt  }
0x7b: {  	_ =	shalt  }
0x7c: {  	_ =	shalt  }
0x7d: {  	_ =	shalt  }
0x7e: {  	_ =	shalt  }
0x7f: {  	_ =	shalt  }
0x80: {  	_ =	shalt  }
0x81: {  	_ =	shalt  }
0x82: {  	_ =	shalt  }
0x83: {  	_ =	shalt  }
0x84: {  	_ =	shalt  }
0x85: {  	_ =	shalt  }
0x86: {  	_ =	shalt  }
0x87: {  	_ =	shalt  }
.Lfunc_end0:
.L_simem_size_0:
called_computation_lowered:
.L_overlay_start_0:
0x88: {  	s2 =	sld [smem:$0x3FD9]  }
0x89: {  	s3 =	sld [smem:$0x3FFE];
	_ =	sdelay $0x1  }
0x8a: {  	s1 =	srdreg.scid  }
0x8b: {  	s0 =	sand.u32 $0x1, s1  }
0x8c: {  	s14 =	sshll.u32 s0, $0xA;
	s2 =	sadd.s32 s3, s2  }
0x8d: {  	s2 =	sadd.s32 s2, s14  }
0x8e: {  	[smem:$0x3FC1] =	sst s2  }
0x8f: {  	_ = 	snop  }
0x90: {  	s2 =	sld [smem:$0x3FD0];
	_ =	sdelay $0x1  }
0x91: {  	s15 =	sld [smem:$0x3FC8]  }
0x92: {  	s5 =	simm.s32 $0xA;
	s6 =	simm.s32 $0x10;
	s4 =	sld [smem:$0x3FC6]  }
0x93: {  	[smem:s6], [sflag:s5] =	dma.local [hbm:s2], $0x1  }
0x94: {  	_ =	swait.eq [sflag:s5], $0x1  }
0x95: {  	[sflag:s5] =	ssyncset.done $0x0  }
0x96: {  	[sflag:s5] =	ssyncadd.s32 $0xFFFFFFFF  }
0x97: {  	s16 =	sld [smem:$0x10];
	(tm) =	ssettm $0x1  }
0x98: {  	s17 =	sld [smem:$0x3FFB];
	_ =	sdelay $0x3  }
0x99: {  	_ =	strace s17  }
0x9a: {  	s5 =	sld [smem:$0x3FFC];
	_ =	sdelay $0x3  }
0x9b: {  	_ =	strace s5  }
0x9c: {  	s5 =	sld [smem:$0x3FFD];
	_ =	sdelay $0x3  }
0x9d: {  	_ =	strace s5  }
0x9e: {  	_ =	strace $0x8FFFFFFF  }
0x9f: {  	s18 =	sld [smem:$0x3FDB];
	_ =	sdelay $0x1  }
0xa0: {  	s19 =	simm.s32 $_scs_section_size  }
0xa1: {  	s7 =	simm.s32 $_size__tile_overlayer_lowered;
	s8 =	simm.s32 $_tile_overlayer_lowered  }
0xa2: {  	s22 =	simm.s32 $0x1BFF;
	s21 =	sshll.u32 s8, $0x1;
	s5 =	sadd.s32 s19, s18  }
0xa3: {  	s9 =	simm.s32 $0x0;
	s20 =	sshll.u32 s7, $0x1;
	s7 =	sadd.s32 s21, s5  }
0xa4: {  	[timem:s9], [sflag:s22] =	dma.local [hbm:s7], s20  }
0xa5: {  	_ =	swait.ge [sflag:s22], s20  }
0xa6: {  	s6 =	ssub.s32 $0x0, s20;
	[sflag:s22] =	ssyncset.done $0x0  }
0xa7: {  	[sflag:s22] =	ssyncadd.s32 s6;
	_ =	sdelay $0x1  }
0xa8: {  	s23 =	simm.s32 $0x1B8B  }
0xa9: {  	_ =	swait.ge [sflag:s23], $0x1  }
0xaa: {  	[sflag:s23] =	ssyncset.done $0x0  }
0xab: {  	s25 =	simm.s32 $0x1B8E;
	s24 =	sld [smem:$0x3FFE];
	[sflag:s23] =	ssyncadd.s32 $0xFFFFFFFF  }
0xac: {  	s26 =	simm.s32 $execute0_lowered;
	[smem:$0x3FD2] =	sst s25  }
0xad: {  	s7 =	sshll.u32 s26, $0x1;
	_ =	strace $0x80000046;
	[dreg:$0x1] =	wrdreg $0xFFFFFFFF  }
0xae: {  	s28 =	simm.s32 $_size_execute0_lowered;
	s5 =	sadd.s32 s5, s7;
	[dreg:$0x0] =	wrdreg $0x0  }
0xaf: {  	s7 =	sshll.u32 s28, $0x1;
	[dreg:$0x2] =	wrdreg s5  }
0xb0: {  	[dreg:$0x3] =	wrdreg s7  }
0xb1: {  	[dreg:$0x4] =	wrdreg $0xC0  }
0xb2: {  	_ =	task [dreg:s9], $0x5FFFF  }
0xb3: {  	[dreg:$0x1] =	wrdreg $0xFFFFFFFF  }
0xb4: {  	[dreg:$0x0] =	wrdreg $0x60  }
0xb5: {  	[dreg:$0x2] =	wrdreg s15  }
0xb6: {  	[dreg:$0x3] =	wrdreg s4  }
0xb7: {  	[dreg:$0x4] =	wrdreg s16  }
0xb8: {  	[dreg:$0x5] =	wrdreg s24  }
0xb9: {  	[dreg:$0x6] =	wrdreg $0xB1000  }
0xba: {  	[dreg:$0x7] =	wrdreg $0xD1000  }
0xbb: {  	[dreg:$0x8] =	wrdreg $0x9  }
0xbc: {  	_ =	task.clear_ibuf [dreg:s9], $0x9FFFF;
	_ =	strace $0x90000046  }
0xbd: {  	s29 =	simm.s32 $0x9;
	_ =	strace $0x80000048  }
0xbe: {  	_ =	swait.ge [sflag:s29], $0x1  }
0xbf: {  	[sflag:s29] =	ssyncadd.s32 $0xFFFFFFFF  }
0xc0: {  	_ =	strace $0x90000048  }
0xc1: {  	_ =	sfence  }
0xc2: {  	s30 =	sld [smem:$0x0];
	_ =	sdelay $0x2  }
0xc3: {  	s31 =	sshll.u32 s1, $0xD;
	s1 =	sshrl.u32 s1, $0x2  }
0xc4: {  	s3 =	sand.u32 $0x4000, s31;
	s1 =	sadd.s32 s1, s30  }
0xc5: {  	s0 =	sor.u32 s3, s0;
	s1 =	sshll.u32 s1, $0x11  }
0xc6: {  	s0 =	sor.u32 s1, s0  }
0xc7: {  	s0 =	sadd.s32 $0x8F2B, s0  }
0xc8: {  	[sflag:s0] =	ssyncadd.remote.s32 $0x1  }
0xc9: {  	_ =	sfence.sel $0xFFFF  }
0xca: {  	[dreg:$0x0] =	wrdreg $0xFFFFFFFF;
	(pc) =	sbr.abs _section_cstart, $3  }
0xcb: {  	[dreg:$0x1] =	wrdreg $0xFFFFFFFF  }
0xcc: {  	_ =	task.clear_ibuf [dreg:s9], $0x2FFFF;
	_ =	strace $0x9FFFFFFF  }
0xcd: {  	(tm) =	ssettm $0x7FFFFFFF  }
tec
execute0_lowered:
.L_overlay_start_1:
0x0: {  	(tag) =	ssettag $0x1  }
0x1: {  	s12 =	rddreg [dreg:$0x0]  }
0x2: {  	s14 =	rddreg [dreg:$0x1]  }
0x3: {  	s10 =	rddreg [dreg:$0x2]  }
0x4: {  	s5 =	rddreg [dreg:$0x3]  }
0x5: {  	s2 =	rddreg [dreg:$0x4]  }
0x6: {  	s3 =	rddreg [dreg:$0x5]  }
0x7: {  	s0 =	rddreg [dreg:$0x6];
	s6 =	srdreg.scid  }
0x8: {  	s1 =	stileid.u32;
	s4 =	simm.s32 $0x0;
	s13 =	sand.u32 $0x1, s6  }
0x9: {  	s26 =	sshll.u32 s1, $0x1;
	[smem:$0x7FF] =	sst s4;
	s7 =	sshll.u32 s1, $0xD  }
0xa: {  	s18 =	sshll.u32 s1, $0x6;
	s8 =	sadd.s32 $0x30D0, s14;
	s9 =	sadd.s32 $0x186800, s12  }
0xb: {  	s17 =	sshll.u32 s1, $0x8;
	s31 =	sshll.u32 s1, $0xC;
	s19 =	sor.u32 s13, s26  }
0xc: {  	_ =	strace $0x80000047;
	s28 =	ssub.s32 $0x2, s13;
	s6 =	sadd.s32 s7, s3  }
0xd: {  	s20 =	sshll.u32 s13, $0x7;
	s13 =	sshll.u32 s13, $0xB;
	v0 =	vmov s18;
	s18 =	simm.s32 $0x7100  }
0xe: {  	s11 =	sshll.u32 s19, $0xA;
	s29 =	sshrl.u32 s28, $0x1;
	p0 =	slt.u32 s19, $0xD  }
0xf: {  	s30 =	sor.u32 s20, s17;
	s17 =	sadd.s32 s31, s12;
	s15 =	sadd.s32 s11, s5  }
0x10: {  	s16 =	ssub.s32 s28, s29;
	s5 =	sadd.s32 s7, s2;
	s7 =	simm.s32 $0x19  }
0x11: {  	s10 =	sadd.s32 s10, s11;
	s13 =	sadd.s32 s13, s17;
	s17 =	simm.s32 $0x80  }
0x12: {  	s7 =	simm.s32 @!p0 $0x18;
	s11 =	sadd.s32 $0x1200, s15;
	s15 =	sshrl.u32 s30, $0x3  }
0x13: {  	s12 =	smax.u32 s16, $0x1;
	s16 =	simm.s32 $0x1;
	p0 =	sne.s32 s19, $0x0  }
0x14: {  	v1 =	vimm.f32 $0.0e+00;
	v2 =	vimm.f32 $1.000000000e+00;
	s19 =	simm.s32 $0x0;
	s14 =	sadd.s32 s15, s14;
	s15 =	simm.s32 $0x5100  }
.LBB2_1:
0x15: {  	s20 =	simm.s32 $0x0;
	s21 =	simm.s32 $0x200  }
.LBB2_2:
0x16: {  	p1 =	sne.s32 s21, $0x7E00;
	[tilespmem:s20+$0x5170] =	vst v1  }
0x17: {  	[tilespmem:s20+$0x5100] =	vst v1  }
0x18: {  	[tilespmem:s20+$0x5110] =	vst v1  }
.Ltmp0:
0x19: {  	[tilespmem:s20+$0x5120] =	vst v1;
	(pc) =	sbr.rel @p1 .LBB2_2-.Ltmp0, $4  }
0x1a: {  	[tilespmem:s20+$0x5130] =	vst v1  }
0x1b: {  	[tilespmem:s20+$0x5140] =	vst v1  }
0x1c: {  	[tilespmem:s20+$0x5150] =	vst v1  }
0x1d: {  	[tilespmem:s20+$0x5160] =	vst v1;
	s20 =	sshra.s32 s21, $0x2;
	s21 =	sadd.s32 $0x200, s21  }
0x1e: {  	[tilespmem:s20+$0x5170] =	vst v1  }
0x1f: {  	[tilespmem:s20+$0x5100] =	vst v1  }
0x20: {  	[tilespmem:s20+$0x5110] =	vst v1  }
0x21: {  	[tilespmem:s20+$0x5120] =	vst v1  }
0x22: {  	[tilespmem:s20+$0x5130] =	vst v1  }
0x23: {  	[tilespmem:s20+$0x5140] =	vst v1  }
0x24: {  	[tilespmem:s20+$0x5150] =	vst v1  }
0x25: {  	[tilespmem:s20+$0x5160] =	vst v1;
	s20 =	simm.s32 $0x0;
	s21 =	simm.s32 $0x200  }
.LBB2_4:
0x26: {  	p1 =	sne.s32 s21, $0xFE00;
	[tilespmem:s20+$0x7170] =	vst v2  }
0x27: {  	[tilespmem:s20+$0x7100] =	vst v2  }
0x28: {  	[tilespmem:s20+$0x7110] =	vst v2  }
.Ltmp1:
0x29: {  	[tilespmem:s20+$0x7120] =	vst v2;
	(pc) =	sbr.rel @p1 .LBB2_4-.Ltmp1, $4  }
0x2a: {  	[tilespmem:s20+$0x7130] =	vst v2  }
0x2b: {  	[tilespmem:s20+$0x7140] =	vst v2  }
0x2c: {  	[tilespmem:s20+$0x7150] =	vst v2  }
0x2d: {  	[tilespmem:s20+$0x7160] =	vst v2;
	s20 =	sshra.s32 s21, $0x2;
	s21 =	sadd.s32 $0x200, s21  }
0x2e: {  	[tilespmem:s20+$0x7170] =	vst v2  }
0x2f: {  	[tilespmem:s20+$0x7100] =	vst v2  }
0x30: {  	[tilespmem:s20+$0x7110] =	vst v2  }
0x31: {  	[tilespmem:s20+$0x7120] =	vst v2  }
0x32: {  	[tilespmem:s20+$0x7130] =	vst v2  }
0x33: {  	[tilespmem:s20+$0x7140] =	vst v2  }
0x34: {  	[tilespmem:s20+$0x7150] =	vst v2  }
0x35: {  	[tilespmem:s20+$0x7160] =	vst v2  }
0x36: {  	[spmem:s5] =	stream.linear.scatter [tilespmem:s15], [sflag:$0x1], $0x2000, $0x38;
	[tilespmem:$0xF100] =	vst v63  }
0x37: {  	_ =	swait.ge [sflag:s16], $0x2000  }
0x38: {  	[sflag:s16] =	ssyncset.done $0x0  }
0x39: {  	[sflag:s16] =	ssyncadd.s32 $0xFFFFE000  }
0x3a: {  	[spmem:s6] =	stream.linear.scatter [tilespmem:s15], [sflag:$0x1], $0x2000, $0x38;
	[tilespmem:$0xF100] =	vst v63  }
0x3b: {  	_ =	swait.ge [sflag:s16], $0x2000  }
0x3c: {  	[sflag:s16] =	ssyncset.done $0x0  }
0x3d: {  	[sflag:s16] =	ssyncadd.s32 $0xFFFFE000  }
0x3e: {  	[tilespmem:s4], [sflag:$0x1] =	stream.linear.gather [hbm4b:s14+s4], $0x80, $0x38;
	[tilespmem:$0xF100] =	vst v63  }
0x3f: {  	_ =	swait.ge [sflag:s16], $0x80  }
0x40: {  	[sflag:s16] =	ssyncset.done $0x0  }
0x41: {  	[sflag:s16] =	ssyncadd.s32 $0xFFFFFF80  }
0x42: {  	[tilespmem:s17], [sflag:$0x1] =	stream.linear.gather [hbm4b:s13+s4], $0x4000, $0x38;
	[tilespmem:$0xF100] =	vst v63  }
0x43: {  	_ =	swait.ge [sflag:s16], $0x4000  }
0x44: {  	[sflag:s16] =	ssyncset.done $0x0  }
0x45: {  	[sflag:s16] =	ssyncadd.s32 $0xFFFFC000  }
0x46: {  	v3 =	vld [tilespmem:$0x70]  }
0x47: {  	v4 =	vld [tilespmem:$0x60]  }
0x48: {  	v5 =	vld [tilespmem:$0x50]  }
0x49: {  	v6 =	vld [tilespmem:$0x30]  }
0x4a: {  	v7 =	vld [tilespmem:$0x20]  }
0x4b: {  	v8 =	vld [tilespmem:$0x10];
	v3 =	vadd.s32 v0, v3  }
0x4c: {  	v9 =	vld [tilespmem:$0x40];
	v4 =	vadd.s32 v0, v4;
	[tilespmem:$0x70] =	vst v3  }
0x4d: {  	v5 =	vadd.s32 v0, v5;
	v3 =	vld [tilespmem:$0x0];
	[tilespmem:$0x60] =	vst v4  }
0x4e: {  	p1 =	sne.s32 s7, $0x1;
	v60 =	vadd.s32 v0, v6;
	[tilespmem:$0x50] =	vst v5  }
.Ltmp2:
0x4f: {  	v61 =	vadd.s32 v0, v7;
	[tilespmem:$0x30] =	vst v60;
	(pc) =	sbr.rel @!p1 .LBB2_7-.Ltmp2, $4  }
0x50: {  	v62 =	vadd.s32 v0, v8;
	[tilespmem:$0x20] =	vst v61  }
0x51: {  	v63 =	vadd.s32 v0, v9;
	[tilespmem:$0x10] =	vst v62  }
0x52: {  	[tilespmem:$0x40] =	vst v63;
	v3 =	vadd.s32 v0, v3  }
0x53: {  	s20 =	sadd.s32 $0xFFFFFFFF, s7;
	s21 =	sadd.s32 $0x10000, s13;
	s22 =	sadd.s32 $0x200, s14;
	[tilespmem:$0x0] =	vst v3  }
.LBB2_6:
0x54: {  	[spmem:s2] =	stream.indirect.scatter.add.f32 [tilespmem:s17], [sflag:$0x1], $0x80, s4, s17, $0xb8;
	[tilespmem:$0xF100] =	vst v63  }
0x55: {  	p1 =	sne.s32 s20, $0x1;
	s20 =	sadd.s32 $0xFFFFFFFF, s20;
	_ =	swait.ge [sflag:s16], $0x4000  }
0x56: {  	[sflag:s16] =	ssyncset.done $0x0  }
0x57: {  	[sflag:s16] =	ssyncadd.s32 $0xFFFFC000  }
0x58: {  	[spmem:s3] =	stream.indirect.scatter.add.f32 [tilespmem:s18], [sflag:$0x1], $0x80, s4, s17, $0xb8;
	[tilespmem:$0xF100] =	vst v63  }
0x59: {  	_ =	swait.ge [sflag:s16], $0x4000  }
0x5a: {  	[sflag:s16] =	ssyncset.done $0x0  }
0x5b: {  	[sflag:s16] =	ssyncadd.s32 $0xFFFFC000  }
0x5c: {  	[tilespmem:s4], [sflag:$0x1] =	stream.linear.gather [hbm4b:s22+s4], $0x80, $0x38;
	[tilespmem:$0xF100] =	vst v63  }
0x5d: {  	_ =	swait.ge [sflag:s16], $0x80  }
0x5e: {  	[sflag:s16] =	ssyncset.done $0x0  }
0x5f: {  	[sflag:s16] =	ssyncadd.s32 $0xFFFFFF80  }
0x60: {  	[tilespmem:s17], [sflag:$0x1] =	stream.linear.gather [hbm4b:s21+s4], $0x4000, $0x38;
	[tilespmem:$0xF100] =	vst v63  }
0x61: {  	_ =	swait.ge [sflag:s16], $0x4000  }
0x62: {  	[sflag:s16] =	ssyncset.done $0x0  }
0x63: {  	[sflag:s16] =	ssyncadd.s32 $0xFFFFC000  }
0x64: {  	v3 =	vld [tilespmem:$0x70]  }
0x65: {  	v4 =	vld [tilespmem:$0x60]  }
0x66: {  	v5 =	vld [tilespmem:$0x50]  }
0x67: {  	v6 =	vld [tilespmem:$0x30]  }
0x68: {  	v7 =	vld [tilespmem:$0x20]  }
0x69: {  	v8 =	vld [tilespmem:$0x10];
	v3 =	vadd.s32 v0, v3  }
0x6a: {  	v9 =	vld [tilespmem:$0x40];
	v4 =	vadd.s32 v0, v4;
	[tilespmem:$0x70] =	vst v3  }
0x6b: {  	v3 =	vld [tilespmem:$0x0];
	v5 =	vadd.s32 v0, v5;
	[tilespmem:$0x60] =	vst v4  }
0x6c: {  	v4 =	vadd.s32 v0, v6;
	[tilespmem:$0x50] =	vst v5  }
.Ltmp3:
0x6d: {  	v5 =	vadd.s32 v0, v7;
	[tilespmem:$0x30] =	vst v4;
	(pc) =	sbr.rel @p1 .LBB2_6-.Ltmp3, $4  }
0x6e: {  	v4 =	vadd.s32 v0, v8;
	[tilespmem:$0x20] =	vst v5  }
0x6f: {  	[tilespmem:$0x10] =	vst v4;
	v4 =	vadd.s32 v0, v9  }
0x70: {  	v3 =	vadd.s32 v0, v3;
	[tilespmem:$0x40] =	vst v4  }
0x71: {  	s22 =	sadd.s32 $0x200, s22;
	s21 =	sadd.s32 $0x10000, s21;
	[tilespmem:$0x0] =	vst v3  }
.LBB2_7:
0x72: {  	[spmem:s2] =	stream.indirect.scatter.add.f32 [tilespmem:s17], [sflag:$0x1], $0x80, s4, s17, $0xb8;
	[tilespmem:$0xF100] =	vst v63  }
0x73: {  	_ =	swait.ge [sflag:s16], $0x4000  }
0x74: {  	[sflag:s16] =	ssyncset.done $0x0  }
0x75: {  	[sflag:s16] =	ssyncadd.s32 $0xFFFFC000  }
0x76: {  	[spmem:s3] =	stream.indirect.scatter.add.f32 [tilespmem:s18], [sflag:$0x1], $0x80, s4, s17, $0xb8;
	[tilespmem:$0xF100] =	vst v63  }
0x77: {  	_ =	swait.ge [sflag:s16], $0x4000  }
0x78: {  	s20 =	simm.s32 @!p0 $0x0;
	[sflag:s16] =	ssyncset.done $0x0  }
0x79: {  	s21 =	simm.s32 @!p0 $0x4080;
	s22 =	simm.s32 @!p0 $0x1;
	[sflag:s16] =	ssyncadd.s32 $0xFFFFC000  }
0x7a: {  	[tilespmem:s21], [sflag:$0x1] =	stream.linear.gather @!p0 [hbm4b:s8+s20], $0x20, $0x38;
	[tilespmem:$0xF100] =	vst v63  }
0x7b: {  	_ =	swait.ge @!p0 [sflag:s22], $0x20  }
0x7c: {  	[sflag:s22] =	ssyncset.done @!p0 $0x0  }
0x7d: {  	s23 =	simm.s32 @!p0 $0x4100;
	[sflag:s22] =	ssyncadd.s32 @!p0 $0xFFFFFFE0  }
0x7e: {  	[tilespmem:s23], [sflag:$0x1] =	stream.linear.gather @!p0 [hbm4b:s9+s20], $0x1000, $0x38;
	[tilespmem:$0xF100] =	vst v63  }
0x7f: {  	_ =	swait.ge @!p0 [sflag:s22], $0x1000  }
0x80: {  	[sflag:s22] =	ssyncset.done @!p0 $0x0  }
0x81: {  	s20 =	simm.s32 @!p0 $0x20;
	[sflag:s22] =	ssyncadd.s32 @!p0 $0xFFFFF000  }
0x82: {  	[spmem:s2] =	stream.indirect.scatter.add.f32 @!p0 [tilespmem:s23], [sflag:$0x1], $0x80, s21, s20, $0xb8;
	[tilespmem:$0xF100] =	vst v63  }
0x83: {  	_ =	swait.ge @!p0 [sflag:s22], $0x1000  }
0x84: {  	[sflag:s22] =	ssyncset.done @!p0 $0x0  }
0x85: {  	s23 =	simm.s32 @!p0 $0x7100;
	[sflag:s22] =	ssyncadd.s32 @!p0 $0xFFFFF000  }
0x86: {  	[spmem:s3] =	stream.indirect.scatter.add.f32 @!p0 [tilespmem:s23], [sflag:$0x1], $0x80, s21, s20, $0xb8;
	[tilespmem:$0xF100] =	vst v63  }
0x87: {  	_ =	swait.ge @!p0 [sflag:s22], $0x1000  }
0x88: {  	[sflag:s22] =	ssyncset.done @!p0 $0x0  }
0x89: {  	[sflag:s22] =	ssyncadd.s32 @!p0 $0xFFFFF000  }
0x8a: {  	[tilespmem:s15], [sflag:$0x1] =	stream.linear.gather [spmem:s5], $0x2000, $0x38;
	[tilespmem:$0xF100] =	vst v63  }
0x8b: {  	_ =	swait.ge [sflag:s16], $0x2000  }
0x8c: {  	[sflag:s16] =	ssyncset.done $0x0  }
0x8d: {  	[sflag:s16] =	ssyncadd.s32 $0xFFFFE000  }
0x8e: {  	[hbm4b:s10+s4] =	stream.linear.scatter [tilespmem:s15], [sflag:$0x1], $0x2000, $0x38;
	[tilespmem:$0xF100] =	vst v63  }
0x8f: {  	_ =	swait.ge [sflag:s16], $0x2000  }
0x90: {  	[sflag:s16] =	ssyncset.done $0x0  }
0x91: {  	[sflag:s16] =	ssyncadd.s32 $0xFFFFE000  }
0x92: {  	[tilespmem:s15], [sflag:$0x1] =	stream.linear.gather [spmem:s6], $0x2000, $0x38;
	[tilespmem:$0xF100] =	vst v63  }
0x93: {  	s19 =	sadd.s32 $0x1, s19;
	_ =	swait.ge [sflag:s16], $0x2000  }
0x94: {  	p1 =	sne.s32 s19, s12;
	[sflag:s16] =	ssyncset.done $0x0  }
.Ltmp4:
0x95: {  	[sflag:s16] =	ssyncadd.s32 $0xFFFFE000;
	(pc) =	sbr.rel @p1 .LBB2_1-.Ltmp4, $4  }
0x96: {  	[hbm4b:s11+s4] =	stream.linear.scatter [tilespmem:s15], [sflag:$0x1], $0x2000, $0x38;
	[tilespmem:$0xF100] =	vst v63  }
0x97: {  	_ =	swait.ge [sflag:s16], $0x2000  }
0x98: {  	[sflag:s16] =	ssyncset.done $0x0  }
0x99: {  	[sflag:s16] =	ssyncadd.s32 $0xFFFFE000  }
0x9a: {  	_ =	sfence.sel $0x180000  }
0x9b: {  	[bflag:$0x0] =	sbarrier.arrive $0xFFFF  }
0x9c: {  	p0 =	sne.s32 s1, $0x0;
	_ =	strace $0x90000047  }
0x9d: {  	s0 =	sadd.s32 @!p0 $0x100000, s0;
	[bflag:$0x2] =	sbarrier.arrive $0xFFFF  }
0x9e: {  	[sflag:s0] =	ssyncadd.tile.s32 @!p0 $0x1;
	_ =	shalt  }
.Lfunc_end2:
_tile_overlayer_lowered:
.L_overlay_start_2:
0x9f: {  	(tag) =	ssettag $0x2  }
0xa0: {  	s0 =	rddreg [dreg:$0x0];
	s2 =	stileid.u32  }
0xa1: {  	s1 =	rddreg [dreg:$0x1];
	p0 =	sne.s32 s2, $0x0  }
0xa2: {  	s3 =	rddreg [dreg:$0x2];
	[bflag:$0x3] =	sbarrier.arrive $0xFFFF;
	s2 =	simm.s32 @!p0 $0x1C01  }
0xa3: {  	[timem:s3], [sflag:s2] =	dma.local @!p0 [hbm:s0], s1  }
0xa4: {  	s0 =	simm.s32 @!p0 $0x1  }
0xa5: {  	_ =	swait.ge @!p0 [sflag:s0], s1  }
0xa6: {  	s1 =	ssub.s32 @!p0 $0x0, s1;
	[sflag:s0] =	ssyncset.done @!p0 $0x0  }
0xa7: {  	[sflag:s0] =	ssyncadd.s32 @!p0 s1  }
0xa8: {  	[bflag:$0x3] =	sbarrier.arrive $0xFFFF  }
0xa9: {  	_ =	shalt  }

</sc_bundles>
